<compile_context>
chip_gen: v7x
topology: tpu7x:2x2x1
jax: 0.10.2.dev20260603
libtpu: 0.0.44.dev20260713+nightly
codegen_flags: <defaults>
</compile_context>

<pallas_src>
import functools

import jax
import jax.numpy as jnp
from jax import lax
from jax.experimental import pallas as pl
from jax.experimental.pallas import tpu as pltpu
from jax.experimental.pallas import tpu_sc as plsc

TOTAL_CTX = 32768
NODE_DIM = 256
NUM_CORES = 2
NUM_SUBCORES = 16
NUM_WORKERS = NUM_CORES * NUM_SUBCORES

ROWS_PER_WORKER = TOTAL_CTX // NUM_WORKERS
CHUNK = 64
NUM_CHUNKS = ROWS_PER_WORKER // CHUNK
NBUF = 7
DEPTH = 6


def _make_gather():
    mesh = plsc.VectorSubcoreMesh(
        core_axis_name="c", subcore_axis_name="s",
        num_cores=NUM_CORES, num_subcores=NUM_SUBCORES,
    )

    @functools.partial(
        pl.kernel,
        mesh=mesh,
        out_type=jax.ShapeDtypeStruct((TOTAL_CTX, NODE_DIM), jnp.float32),
        scratch_types=(
            [pltpu.VMEM((ROWS_PER_WORKER,), jnp.int32)]
            + [pltpu.VMEM((CHUNK, NODE_DIM), jnp.float32)] * NBUF
            + [pltpu.SemaphoreType.DMA] * (2 * NBUF)
        ),
    )
    def gather_kernel(table_hbm, idx_hbm, out_hbm, idx_all, *scratch):
        rows_v = list(scratch[:NBUF])
        gsem = list(scratch[NBUF:2 * NBUF])
        wsem = list(scratch[2 * NBUF:3 * NBUF])
        wid = lax.axis_index("s") * NUM_CORES + lax.axis_index("c")
        base = wid * ROWS_PER_WORKER
        gd = {}
        wd = {}

        def start_gather(c):
            b = c % NBUF
            gd[c] = pltpu.async_copy(
                table_hbm.at[idx_all.at[pl.ds(c * CHUNK, CHUNK)]],
                rows_v[b], gsem[b])

        pltpu.sync_copy(idx_hbm.at[pl.ds(base, CHUNK)],
                        idx_all.at[pl.ds(0, CHUNK)])
        start_gather(0)
        pltpu.sync_copy(
            idx_hbm.at[pl.ds(base + CHUNK, ROWS_PER_WORKER - CHUNK)],
            idx_all.at[pl.ds(CHUNK, ROWS_PER_WORKER - CHUNK)])
        for c in range(1, DEPTH):
            start_gather(c)
        for c in range(NUM_CHUNKS):
            gd[c].wait()
            wd[c] = pltpu.async_copy(
                rows_v[c % NBUF],
                out_hbm.at[pl.ds(base + c * CHUNK, CHUNK)],
                wsem[c % NBUF])
            nxt = c + DEPTH
            if nxt < NUM_CHUNKS:
                prev = nxt - NBUF
                if prev >= 0:
                    wd[prev].wait()
                start_gather(nxt)
        for c in range(NUM_CHUNKS - NBUF, NUM_CHUNKS):
            if c >= 0 and c in wd:
                wd[c].wait()

    return gather_kernel


_gather = _make_gather()


@jax.jit
def kernel(node_values, context_indices, context_row_splits):
    del context_row_splits
    return _gather(node_values, context_indices.astype(jnp.int32))

# --- scband reference (transcript-rebuilt; emitter-appended) ---
"""Pipeline reference for scband-context-embedding-87110526697687 (READ-ONLY COPY).

The authoritative reference and input builder live on the scoring server;
editing this copy changes nothing except your own understanding.
"""

import jax, jax.numpy as jnp
import numpy as np

TOTAL_NODES = 32768
TOTAL_CTX = 32768
NODE_DIM = 256
BATCH = 16


def setup_inputs(seed: int = 0) -> dict:
    key = jax.random.key(seed)
    k1, k2, k3 = jax.random.split(key, 3)
    node_values = jax.random.normal(k1, (TOTAL_NODES, NODE_DIM), dtype=jnp.float32)
    context_indices = jax.random.randint(k2, (TOTAL_CTX,), 0, TOTAL_NODES, dtype=jnp.int64 if jax.config.jax_enable_x64 else jnp.int32).astype(jnp.int64)
    context_row_splits = jnp.sort(jax.random.randint(k3, (BATCH + 1,), 0, TOTAL_CTX, dtype=jnp.int32))
    return {
        "node_values": node_values,
        "context_indices": context_indices,
        "context_row_splits": context_row_splits,
    }


def reference(node_values, context_indices, context_row_splits):
    # ContextEmbedding.call:
    #   context_emb = tf.gather(node_embs.values, context_nodes.values)
    #   return context_nodes.replace_values(context_emb)
    # i.e. a flat row-gather of node embeddings by the ragged context indices;
    # the ragged structure (row_splits) is carried through unchanged.
    context_emb = jnp.take(node_values, context_indices, axis=0)
    return context_emb

if __name__ == "__main__":
    import jax
    _d = setup_inputs()
    print(jax.jit(kernel)(*tuple(_d.values())))

</pallas_src>

<mosaic_0001>
#map = affine_map<(d0, d1) -> (0, 0)>
#map1 = affine_map<(d0, d1) -> (0)>
module attributes {stable_mosaic.version = 14 : i64} {
  func.func @gather_kernel(%arg0: i32, %arg1: i32, %arg2: memref<32768x256xf32, #tpu.memory_space<hbm>>, %arg3: memref<32768xi32, #tpu.memory_space<hbm>>, %arg4: memref<32768x256xf32, #tpu.memory_space<hbm>>, %arg5: memref<1024xi32, #tpu.memory_space<vmem>>, %arg6: memref<64x256xf32, #tpu.memory_space<vmem>>, %arg7: memref<64x256xf32, #tpu.memory_space<vmem>>, %arg8: memref<64x256xf32, #tpu.memory_space<vmem>>, %arg9: memref<64x256xf32, #tpu.memory_space<vmem>>, %arg10: memref<64x256xf32, #tpu.memory_space<vmem>>, %arg11: memref<64x256xf32, #tpu.memory_space<vmem>>, %arg12: memref<64x256xf32, #tpu.memory_space<vmem>>, %arg13: memref<!tpu.dma_semaphore, #tpu.memory_space<semaphore_mem>>, %arg14: memref<!tpu.dma_semaphore, #tpu.memory_space<semaphore_mem>>, %arg15: memref<!tpu.dma_semaphore, #tpu.memory_space<semaphore_mem>>, %arg16: memref<!tpu.dma_semaphore, #tpu.memory_space<semaphore_mem>>, %arg17: memref<!tpu.dma_semaphore, #tpu.memory_space<semaphore_mem>>, %arg18: memref<!tpu.dma_semaphore, #tpu.memory_space<semaphore_mem>>, %arg19: memref<!tpu.dma_semaphore, #tpu.memory_space<semaphore_mem>>, %arg20: memref<!tpu.dma_semaphore, #tpu.memory_space<semaphore_mem>>, %arg21: memref<!tpu.dma_semaphore, #tpu.memory_space<semaphore_mem>>, %arg22: memref<!tpu.dma_semaphore, #tpu.memory_space<semaphore_mem>>, %arg23: memref<!tpu.dma_semaphore, #tpu.memory_space<semaphore_mem>>, %arg24: memref<!tpu.dma_semaphore, #tpu.memory_space<semaphore_mem>>, %arg25: memref<!tpu.dma_semaphore, #tpu.memory_space<semaphore_mem>>, %arg26: memref<!tpu.dma_semaphore, #tpu.memory_space<semaphore_mem>>) attributes {dimension_semantics = [#tpu.dimension_semantics<core_parallel>, #tpu.dimension_semantics<subcore_parallel>], iteration_bounds = array<i64: 2, 16>, scalar_prefetch = 0 : i64, scratch_operands = 22 : i64, tpu.core_type = #tpu.core_type<sc_vector_subcore>, window_params = [{transform_indices = #map}, {transform_indices = #map1}, {transform_indices = #map}]} {
    %mul3A = arith.constant 2 : i32
    %mul3A_0 = arith.muli %arg1, %mul3A : i32
    %add3A = arith.addi %mul3A_0, %arg0 : i32
    %mul3A_1 = arith.constant 1024 : i32
    %mul3A_2 = arith.muli %add3A, %mul3A_1 : i32
    "tpu.region"() ({
      %run_scoped3A = tpu.sem_alloc : memref<!tpu.dma_semaphore, #tpu.memory_space<semaphore_mem>>
      %dma_start3A_323 = arith.constant 0 : i32
      %dma_start3A_324 = tpu.memref_slice %arg5[%dma_start3A_323] : memref<1024xi32, #tpu.memory_space<vmem>> -> memref<64xi32, #tpu.memory_space<vmem>>
      %dma_start3A_325 = tpu.memref_slice %arg3[%mul3A_2] : memref<32768xi32, #tpu.memory_space<hbm>> -> memref<64xi32, #tpu.memory_space<hbm>>
      %dma_start3A_326 = arith.constant 0 : i32
      %dma_start3A_327 = tpu.memref_slice %arg5[%dma_start3A_326] : memref<1024xi32, #tpu.memory_space<vmem>> -> memref<64xi32, #tpu.memory_space<vmem>>
      %dma_start3A_328 = tpu.memref_slice %arg3[%mul3A_2] : memref<32768xi32, #tpu.memory_space<hbm>> -> memref<64xi32, #tpu.memory_space<hbm>>
      tpu.enqueue_dma source(%dma_start3A_328 : memref<64xi32, #tpu.memory_space<hbm>>) target(%dma_start3A_327 : memref<64xi32, #tpu.memory_space<vmem>>) target_semaphore(%run_scoped3A : memref<!tpu.dma_semaphore, #tpu.memory_space<semaphore_mem>>)
      %dma_wait3A_329 = arith.constant 0 : i32
      %dma_wait3A_330 = tpu.memref_slice %arg5[%dma_wait3A_329] : memref<1024xi32, #tpu.memory_space<vmem>> -> memref<64xi32, #tpu.memory_space<vmem>>
      %dma_wait3A_331 = tpu.memref_slice %arg3[%mul3A_2] : memref<32768xi32, #tpu.memory_space<hbm>> -> memref<64xi32, #tpu.memory_space<hbm>>
      %dma_wait3A_332 = arith.constant 0 : i32
      %dma_wait3A_333 = tpu.memref_slice %arg5[%dma_wait3A_332] : memref<1024xi32, #tpu.memory_space<vmem>> -> memref<64xi32, #tpu.memory_space<vmem>>
      %dma_wait3A_334 = tpu.memref_slice %arg3[%mul3A_2] : memref<32768xi32, #tpu.memory_space<hbm>> -> memref<64xi32, #tpu.memory_space<hbm>>
      tpu.wait_dma2 semaphore(%run_scoped3A : memref<!tpu.dma_semaphore, #tpu.memory_space<semaphore_mem>>) src(%dma_wait3A_334 : memref<64xi32, #tpu.memory_space<hbm>>) dst(%dma_wait3A_333 : memref<64xi32, #tpu.memory_space<vmem>>)
      tpu.yield
    }) : () -> ()
    %dma_start3A = arith.constant 0 : i32
    %dma_start3A_3 = tpu.memref_slice %arg5[%dma_start3A] : memref<1024xi32, #tpu.memory_space<vmem>> -> memref<64xi32, #tpu.memory_space<vmem>>
    %dma_start3A_4 = arith.constant 0 : i32
    %dma_start3A_5 = arith.constant 0 : i32
    %dma_start3A_6 = tpu.memref_slice %arg2[%dma_start3A_4, %dma_start3A_5] : memref<32768x256xf32, #tpu.memory_space<hbm>> -> memref<32768x256xf32, #tpu.memory_space<hbm>>
    tpu.enqueue_indirect_dma source(%dma_start3A_6 : memref<32768x256xf32, #tpu.memory_space<hbm>>) target(%arg6 : memref<64x256xf32, #tpu.memory_space<vmem>>) offsets(%dma_start3A_3 : memref<64xi32, #tpu.memory_space<vmem>>) semaphore(%arg13 : memref<!tpu.dma_semaphore, #tpu.memory_space<semaphore_mem>>)
    %add3A_7 = arith.constant 64 : i32
    %add3A_8 = arith.addi %mul3A_2, %add3A_7 : i32
    "tpu.region"() ({
      %run_scoped3A = tpu.sem_alloc : memref<!tpu.dma_semaphore, #tpu.memory_space<semaphore_mem>>
      %dma_start3A_323 = arith.constant 64 : i32
      %dma_start3A_324 = tpu.memref_slice %arg5[%dma_start3A_323] : memref<1024xi32, #tpu.memory_space<vmem>> -> memref<960xi32, #tpu.memory_space<vmem>>
      %dma_start3A_325 = tpu.memref_slice %arg3[%add3A_8] : memref<32768xi32, #tpu.memory_space<hbm>> -> memref<960xi32, #tpu.memory_space<hbm>>
      %dma_start3A_326 = arith.constant 64 : i32
      %dma_start3A_327 = tpu.memref_slice %arg5[%dma_start3A_326] : memref<1024xi32, #tpu.memory_space<vmem>> -> memref<960xi32, #tpu.memory_space<vmem>>
      %dma_start3A_328 = tpu.memref_slice %arg3[%add3A_8] : memref<32768xi32, #tpu.memory_space<hbm>> -> memref<960xi32, #tpu.memory_space<hbm>>
      tpu.enqueue_dma source(%dma_start3A_328 : memref<960xi32, #tpu.memory_space<hbm>>) target(%dma_start3A_327 : memref<960xi32, #tpu.memory_space<vmem>>) target_semaphore(%run_scoped3A : memref<!tpu.dma_semaphore, #tpu.memory_space<semaphore_mem>>)
      %dma_wait3A_329 = arith.constant 64 : i32
      %dma_wait3A_330 = tpu.memref_slice %arg5[%dma_wait3A_329] : memref<1024xi32, #tpu.memory_space<vmem>> -> memref<960xi32, #tpu.memory_space<vmem>>
      %dma_wait3A_331 = tpu.memref_slice %arg3[%add3A_8] : memref<32768xi32, #tpu.memory_space<hbm>> -> memref<960xi32, #tpu.memory_space<hbm>>
      %dma_wait3A_332 = arith.constant 64 : i32
      %dma_wait3A_333 = tpu.memref_slice %arg5[%dma_wait3A_332] : memref<1024xi32, #tpu.memory_space<vmem>> -> memref<960xi32, #tpu.memory_space<vmem>>
      %dma_wait3A_334 = tpu.memref_slice %arg3[%add3A_8] : memref<32768xi32, #tpu.memory_space<hbm>> -> memref<960xi32, #tpu.memory_space<hbm>>
      tpu.wait_dma2 semaphore(%run_scoped3A : memref<!tpu.dma_semaphore, #tpu.memory_space<semaphore_mem>>) src(%dma_wait3A_334 : memref<960xi32, #tpu.memory_space<hbm>>) dst(%dma_wait3A_333 : memref<960xi32, #tpu.memory_space<vmem>>)
      tpu.yield
    }) : () -> ()
    %dma_start3A_9 = arith.constant 64 : i32
    %dma_start3A_10 = tpu.memref_slice %arg5[%dma_start3A_9] : memref<1024xi32, #tpu.memory_space<vmem>> -> memref<64xi32, #tpu.memory_space<vmem>>
    %dma_start3A_11 = arith.constant 0 : i32
    %dma_start3A_12 = arith.constant 0 : i32
    %dma_start3A_13 = tpu.memref_slice %arg2[%dma_start3A_11, %dma_start3A_12] : memref<32768x256xf32, #tpu.memory_space<hbm>> -> memref<32768x256xf32, #tpu.memory_space<hbm>>
    tpu.enqueue_indirect_dma source(%dma_start3A_13 : memref<32768x256xf32, #tpu.memory_space<hbm>>) target(%arg7 : memref<64x256xf32, #tpu.memory_space<vmem>>) offsets(%dma_start3A_10 : memref<64xi32, #tpu.memory_space<vmem>>) semaphore(%arg14 : memref<!tpu.dma_semaphore, #tpu.memory_space<semaphore_mem>>)
    %dma_start3A_14 = arith.constant 128 : i32
    %dma_start3A_15 = tpu.memref_slice %arg5[%dma_start3A_14] : memref<1024xi32, #tpu.memory_space<vmem>> -> memref<64xi32, #tpu.memory_space<vmem>>
    %dma_start3A_16 = arith.constant 0 : i32
    %dma_start3A_17 = arith.constant 0 : i32
    %dma_start3A_18 = tpu.memref_slice %arg2[%dma_start3A_16, %dma_start3A_17] : memref<32768x256xf32, #tpu.memory_space<hbm>> -> memref<32768x256xf32, #tpu.memory_space<hbm>>
    tpu.enqueue_indirect_dma source(%dma_start3A_18 : memref<32768x256xf32, #tpu.memory_space<hbm>>) target(%arg8 : memref<64x256xf32, #tpu.memory_space<vmem>>) offsets(%dma_start3A_15 : memref<64xi32, #tpu.memory_space<vmem>>) semaphore(%arg15 : memref<!tpu.dma_semaphore, #tpu.memory_space<semaphore_mem>>)
    %dma_start3A_19 = arith.constant 192 : i32
    %dma_start3A_20 = tpu.memref_slice %arg5[%dma_start3A_19] : memref<1024xi32, #tpu.memory_space<vmem>> -> memref<64xi32, #tpu.memory_space<vmem>>
    %dma_start3A_21 = arith.constant 0 : i32
    %dma_start3A_22 = arith.constant 0 : i32
    %dma_start3A_23 = tpu.memref_slice %arg2[%dma_start3A_21, %dma_start3A_22] : memref<32768x256xf32, #tpu.memory_space<hbm>> -> memref<32768x256xf32, #tpu.memory_space<hbm>>
    tpu.enqueue_indirect_dma source(%dma_start3A_23 : memref<32768x256xf32, #tpu.memory_space<hbm>>) target(%arg9 : memref<64x256xf32, #tpu.memory_space<vmem>>) offsets(%dma_start3A_20 : memref<64xi32, #tpu.memory_space<vmem>>) semaphore(%arg16 : memref<!tpu.dma_semaphore, #tpu.memory_space<semaphore_mem>>)
    %dma_start3A_24 = arith.constant 256 : i32
    %dma_start3A_25 = tpu.memref_slice %arg5[%dma_start3A_24] : memref<1024xi32, #tpu.memory_space<vmem>> -> memref<64xi32, #tpu.memory_space<vmem>>
    %dma_start3A_26 = arith.constant 0 : i32
    %dma_start3A_27 = arith.constant 0 : i32
    %dma_start3A_28 = tpu.memref_slice %arg2[%dma_start3A_26, %dma_start3A_27] : memref<32768x256xf32, #tpu.memory_space<hbm>> -> memref<32768x256xf32, #tpu.memory_space<hbm>>
    tpu.enqueue_indirect_dma source(%dma_start3A_28 : memref<32768x256xf32, #tpu.memory_space<hbm>>) target(%arg10 : memref<64x256xf32, #tpu.memory_space<vmem>>) offsets(%dma_start3A_25 : memref<64xi32, #tpu.memory_space<vmem>>) semaphore(%arg17 : memref<!tpu.dma_semaphore, #tpu.memory_space<semaphore_mem>>)
    %dma_start3A_29 = arith.constant 320 : i32
    %dma_start3A_30 = tpu.memref_slice %arg5[%dma_start3A_29] : memref<1024xi32, #tpu.memory_space<vmem>> -> memref<64xi32, #tpu.memory_space<vmem>>
    %dma_start3A_31 = arith.constant 0 : i32
    %dma_start3A_32 = arith.constant 0 : i32
    %dma_start3A_33 = tpu.memref_slice %arg2[%dma_start3A_31, %dma_start3A_32] : memref<32768x256xf32, #tpu.memory_space<hbm>> -> memref<32768x256xf32, #tpu.memory_space<hbm>>
    tpu.enqueue_indirect_dma source(%dma_start3A_33 : memref<32768x256xf32, #tpu.memory_space<hbm>>) target(%arg11 : memref<64x256xf32, #tpu.memory_space<vmem>>) offsets(%dma_start3A_30 : memref<64xi32, #tpu.memory_space<vmem>>) semaphore(%arg18 : memref<!tpu.dma_semaphore, #tpu.memory_space<semaphore_mem>>)
    %dma_wait3A = arith.constant 0 : i32
    %dma_wait3A_34 = tpu.memref_slice %arg5[%dma_wait3A] : memref<1024xi32, #tpu.memory_space<vmem>> -> memref<64xi32, #tpu.memory_space<vmem>>
    %dma_wait3A_35 = arith.constant 0 : i32
    %dma_wait3A_36 = arith.constant 0 : i32
    %dma_wait3A_37 = tpu.memref_slice %arg2[%dma_wait3A_35, %dma_wait3A_36] : memref<32768x256xf32, #tpu.memory_space<hbm>> -> memref<32768x256xf32, #tpu.memory_space<hbm>>
    tpu.wait_indirect_dma semaphore(%arg13 : memref<!tpu.dma_semaphore, #tpu.memory_space<semaphore_mem>>) src(%dma_wait3A_37 : memref<32768x256xf32, #tpu.memory_space<hbm>>) dst(%arg6 : memref<64x256xf32, #tpu.memory_space<vmem>>)
    %add3A_38 = arith.constant 0 : i32
    %add3A_39 = arith.addi %mul3A_2, %add3A_38 : i32
    %dma_start3A_40 = arith.constant 0 : i32
    %dma_start3A_41 = tpu.memref_slice %arg4[%add3A_39, %dma_start3A_40] : memref<32768x256xf32, #tpu.memory_space<hbm>> -> memref<64x256xf32, #tpu.memory_space<hbm>>
    %dma_start3A_42 = arith.constant 0 : i32
    %dma_start3A_43 = tpu.memref_slice %arg4[%add3A_39, %dma_start3A_42] : memref<32768x256xf32, #tpu.memory_space<hbm>> -> memref<64x256xf32, #tpu.memory_space<hbm>>
    tpu.enqueue_dma source(%arg6 : memref<64x256xf32, #tpu.memory_space<vmem>>) target(%dma_start3A_43 : memref<64x256xf32, #tpu.memory_space<hbm>>) target_semaphore(%arg20 : memref<!tpu.dma_semaphore, #tpu.memory_space<semaphore_mem>>)
    %dma_start3A_44 = arith.constant 384 : i32
    %dma_start3A_45 = tpu.memref_slice %arg5[%dma_start3A_44] : memref<1024xi32, #tpu.memory_space<vmem>> -> memref<64xi32, #tpu.memory_space<vmem>>
    %dma_start3A_46 = arith.constant 0 : i32
    %dma_start3A_47 = arith.constant 0 : i32
    %dma_start3A_48 = tpu.memref_slice %arg2[%dma_start3A_46, %dma_start3A_47] : memref<32768x256xf32, #tpu.memory_space<hbm>> -> memref<32768x256xf32, #tpu.memory_space<hbm>>
    tpu.enqueue_indirect_dma source(%dma_start3A_48 : memref<32768x256xf32, #tpu.memory_space<hbm>>) target(%arg12 : memref<64x256xf32, #tpu.memory_space<vmem>>) offsets(%dma_start3A_45 : memref<64xi32, #tpu.memory_space<vmem>>) semaphore(%arg19 : memref<!tpu.dma_semaphore, #tpu.memory_space<semaphore_mem>>)
    %dma_wait3A_49 = arith.constant 64 : i32
    %dma_wait3A_50 = tpu.memref_slice %arg5[%dma_wait3A_49] : memref<1024xi32, #tpu.memory_space<vmem>> -> memref<64xi32, #tpu.memory_space<vmem>>
    %dma_wait3A_51 = arith.constant 0 : i32
    %dma_wait3A_52 = arith.constant 0 : i32
    %dma_wait3A_53 = tpu.memref_slice %arg2[%dma_wait3A_51, %dma_wait3A_52] : memref<32768x256xf32, #tpu.memory_space<hbm>> -> memref<32768x256xf32, #tpu.memory_space<hbm>>
    tpu.wait_indirect_dma semaphore(%arg14 : memref<!tpu.dma_semaphore, #tpu.memory_space<semaphore_mem>>) src(%dma_wait3A_53 : memref<32768x256xf32, #tpu.memory_space<hbm>>) dst(%arg7 : memref<64x256xf32, #tpu.memory_space<vmem>>)
    %add3A_54 = arith.constant 64 : i32
    %add3A_55 = arith.addi %mul3A_2, %add3A_54 : i32
    %dma_start3A_56 = arith.constant 0 : i32
    %dma_start3A_57 = tpu.memref_slice %arg4[%add3A_55, %dma_start3A_56] : memref<32768x256xf32, #tpu.memory_space<hbm>> -> memref<64x256xf32, #tpu.memory_space<hbm>>
    %dma_start3A_58 = arith.constant 0 : i32
    %dma_start3A_59 = tpu.memref_slice %arg4[%add3A_55, %dma_start3A_58] : memref<32768x256xf32, #tpu.memory_space<hbm>> -> memref<64x256xf32, #tpu.memory_space<hbm>>
    tpu.enqueue_dma source(%arg7 : memref<64x256xf32, #tpu.memory_space<vmem>>) target(%dma_start3A_59 : memref<64x256xf32, #tpu.memory_space<hbm>>) target_semaphore(%arg21 : memref<!tpu.dma_semaphore, #tpu.memory_space<semaphore_mem>>)
    %dma_wait3A_60 = arith.constant 0 : i32
    %dma_wait3A_61 = tpu.memref_slice %arg4[%add3A_39, %dma_wait3A_60] : memref<32768x256xf32, #tpu.memory_space<hbm>> -> memref<64x256xf32, #tpu.memory_space<hbm>>
    %dma_wait3A_62 = arith.constant 0 : i32
    %dma_wait3A_63 = tpu.memref_slice %arg4[%add3A_39, %dma_wait3A_62] : memref<32768x256xf32, #tpu.memory_space<hbm>> -> memref<64x256xf32, #tpu.memory_space<hbm>>
    tpu.wait_dma2 semaphore(%arg20 : memref<!tpu.dma_semaphore, #tpu.memory_space<semaphore_mem>>) src(%arg6 : memref<64x256xf32, #tpu.memory_space<vmem>>) dst(%dma_wait3A_63 : memref<64x256xf32, #tpu.memory_space<hbm>>)
    %dma_start3A_64 = arith.constant 448 : i32
    %dma_start3A_65 = tpu.memref_slice %arg5[%dma_start3A_64] : memref<1024xi32, #tpu.memory_space<vmem>> -> memref<64xi32, #tpu.memory_space<vmem>>
    %dma_start3A_66 = arith.constant 0 : i32
    %dma_start3A_67 = arith.constant 0 : i32
    %dma_start3A_68 = tpu.memref_slice %arg2[%dma_start3A_66, %dma_start3A_67] : memref<32768x256xf32, #tpu.memory_space<hbm>> -> memref<32768x256xf32, #tpu.memory_space<hbm>>
    tpu.enqueue_indirect_dma source(%dma_start3A_68 : memref<32768x256xf32, #tpu.memory_space<hbm>>) target(%arg6 : memref<64x256xf32, #tpu.memory_space<vmem>>) offsets(%dma_start3A_65 : memref<64xi32, #tpu.memory_space<vmem>>) semaphore(%arg13 : memref<!tpu.dma_semaphore, #tpu.memory_space<semaphore_mem>>)
    %dma_wait3A_69 = arith.constant 128 : i32
    %dma_wait3A_70 = tpu.memref_slice %arg5[%dma_wait3A_69] : memref<1024xi32, #tpu.memory_space<vmem>> -> memref<64xi32, #tpu.memory_space<vmem>>
    %dma_wait3A_71 = arith.constant 0 : i32
    %dma_wait3A_72 = arith.constant 0 : i32
    %dma_wait3A_73 = tpu.memref_slice %arg2[%dma_wait3A_71, %dma_wait3A_72] : memref<32768x256xf32, #tpu.memory_space<hbm>> -> memref<32768x256xf32, #tpu.memory_space<hbm>>
    tpu.wait_indirect_dma semaphore(%arg15 : memref<!tpu.dma_semaphore, #tpu.memory_space<semaphore_mem>>) src(%dma_wait3A_73 : memref<32768x256xf32, #tpu.memory_space<hbm>>) dst(%arg8 : memref<64x256xf32, #tpu.memory_space<vmem>>)
    %add3A_74 = arith.constant 128 : i32
    %add3A_75 = arith.addi %mul3A_2, %add3A_74 : i32
    %dma_start3A_76 = arith.constant 0 : i32
    %dma_start3A_77 = tpu.memref_slice %arg4[%add3A_75, %dma_start3A_76] : memref<32768x256xf32, #tpu.memory_space<hbm>> -> memref<64x256xf32, #tpu.memory_space<hbm>>
    %dma_start3A_78 = arith.constant 0 : i32
    %dma_start3A_79 = tpu.memref_slice %arg4[%add3A_75, %dma_start3A_78] : memref<32768x256xf32, #tpu.memory_space<hbm>> -> memref<64x256xf32, #tpu.memory_space<hbm>>
    tpu.enqueue_dma source(%arg8 : memref<64x256xf32, #tpu.memory_space<vmem>>) target(%dma_start3A_79 : memref<64x256xf32, #tpu.memory_space<hbm>>) target_semaphore(%arg22 : memref<!tpu.dma_semaphore, #tpu.memory_space<semaphore_mem>>)
    %dma_wait3A_80 = arith.constant 0 : i32
    %dma_wait3A_81 = tpu.memref_slice %arg4[%add3A_55, %dma_wait3A_80] : memref<32768x256xf32, #tpu.memory_space<hbm>> -> memref<64x256xf32, #tpu.memory_space<hbm>>
    %dma_wait3A_82 = arith.constant 0 : i32
    %dma_wait3A_83 = tpu.memref_slice %arg4[%add3A_55, %dma_wait3A_82] : memref<32768x256xf32, #tpu.memory_space<hbm>> -> memref<64x256xf32, #tpu.memory_space<hbm>>
    tpu.wait_dma2 semaphore(%arg21 : memref<!tpu.dma_semaphore, #tpu.memory_space<semaphore_mem>>) src(%arg7 : memref<64x256xf32, #tpu.memory_space<vmem>>) dst(%dma_wait3A_83 : memref<64x256xf32, #tpu.memory_space<hbm>>)
    %dma_start3A_84 = arith.constant 512 : i32
    %dma_start3A_85 = tpu.memref_slice %arg5[%dma_start3A_84] : memref<1024xi32, #tpu.memory_space<vmem>> -> memref<64xi32, #tpu.memory_space<vmem>>
    %dma_start3A_86 = arith.constant 0 : i32
    %dma_start3A_87 = arith.constant 0 : i32
    %dma_start3A_88 = tpu.memref_slice %arg2[%dma_start3A_86, %dma_start3A_87] : memref<32768x256xf32, #tpu.memory_space<hbm>> -> memref<32768x256xf32, #tpu.memory_space<hbm>>
    tpu.enqueue_indirect_dma source(%dma_start3A_88 : memref<32768x256xf32, #tpu.memory_space<hbm>>) target(%arg7 : memref<64x256xf32, #tpu.memory_space<vmem>>) offsets(%dma_start3A_85 : memref<64xi32, #tpu.memory_space<vmem>>) semaphore(%arg14 : memref<!tpu.dma_semaphore, #tpu.memory_space<semaphore_mem>>)
    %dma_wait3A_89 = arith.constant 192 : i32
    %dma_wait3A_90 = tpu.memref_slice %arg5[%dma_wait3A_89] : memref<1024xi32, #tpu.memory_space<vmem>> -> memref<64xi32, #tpu.memory_space<vmem>>
    %dma_wait3A_91 = arith.constant 0 : i32
    %dma_wait3A_92 = arith.constant 0 : i32
    %dma_wait3A_93 = tpu.memref_slice %arg2[%dma_wait3A_91, %dma_wait3A_92] : memref<32768x256xf32, #tpu.memory_space<hbm>> -> memref<32768x256xf32, #tpu.memory_space<hbm>>
    tpu.wait_indirect_dma semaphore(%arg16 : memref<!tpu.dma_semaphore, #tpu.memory_space<semaphore_mem>>) src(%dma_wait3A_93 : memref<32768x256xf32, #tpu.memory_space<hbm>>) dst(%arg9 : memref<64x256xf32, #tpu.memory_space<vmem>>)
    %add3A_94 = arith.constant 192 : i32
    %add3A_95 = arith.addi %mul3A_2, %add3A_94 : i32
    %dma_start3A_96 = arith.constant 0 : i32
    %dma_start3A_97 = tpu.memref_slice %arg4[%add3A_95, %dma_start3A_96] : memref<32768x256xf32, #tpu.memory_space<hbm>> -> memref<64x256xf32, #tpu.memory_space<hbm>>
    %dma_start3A_98 = arith.constant 0 : i32
    %dma_start3A_99 = tpu.memref_slice %arg4[%add3A_95, %dma_start3A_98] : memref<32768x256xf32, #tpu.memory_space<hbm>> -> memref<64x256xf32, #tpu.memory_space<hbm>>
    tpu.enqueue_dma source(%arg9 : memref<64x256xf32, #tpu.memory_space<vmem>>) target(%dma_start3A_99 : memref<64x256xf32, #tpu.memory_space<hbm>>) target_semaphore(%arg23 : memref<!tpu.dma_semaphore, #tpu.memory_space<semaphore_mem>>)
    %dma_wait3A_100 = arith.constant 0 : i32
    %dma_wait3A_101 = tpu.memref_slice %arg4[%add3A_75, %dma_wait3A_100] : memref<32768x256xf32, #tpu.memory_space<hbm>> -> memref<64x256xf32, #tpu.memory_space<hbm>>
    %dma_wait3A_102 = arith.constant 0 : i32
    %dma_wait3A_103 = tpu.memref_slice %arg4[%add3A_75, %dma_wait3A_102] : memref<32768x256xf32, #tpu.memory_space<hbm>> -> memref<64x256xf32, #tpu.memory_space<hbm>>
    tpu.wait_dma2 semaphore(%arg22 : memref<!tpu.dma_semaphore, #tpu.memory_space<semaphore_mem>>) src(%arg8 : memref<64x256xf32, #tpu.memory_space<vmem>>) dst(%dma_wait3A_103 : memref<64x256xf32, #tpu.memory_space<hbm>>)
    %dma_start3A_104 = arith.constant 576 : i32
    %dma_start3A_105 = tpu.memref_slice %arg5[%dma_start3A_104] : memref<1024xi32, #tpu.memory_space<vmem>> -> memref<64xi32, #tpu.memory_space<vmem>>
    %dma_start3A_106 = arith.constant 0 : i32
    %dma_start3A_107 = arith.constant 0 : i32
    %dma_start3A_108 = tpu.memref_slice %arg2[%dma_start3A_106, %dma_start3A_107] : memref<32768x256xf32, #tpu.memory_space<hbm>> -> memref<32768x256xf32, #tpu.memory_space<hbm>>
    tpu.enqueue_indirect_dma source(%dma_start3A_108 : memref<32768x256xf32, #tpu.memory_space<hbm>>) target(%arg8 : memref<64x256xf32, #tpu.memory_space<vmem>>) offsets(%dma_start3A_105 : memref<64xi32, #tpu.memory_space<vmem>>) semaphore(%arg15 : memref<!tpu.dma_semaphore, #tpu.memory_space<semaphore_mem>>)
    %dma_wait3A_109 = arith.constant 256 : i32
    %dma_wait3A_110 = tpu.memref_slice %arg5[%dma_wait3A_109] : memref<1024xi32, #tpu.memory_space<vmem>> -> memref<64xi32, #tpu.memory_space<vmem>>
    %dma_wait3A_111 = arith.constant 0 : i32
    %dma_wait3A_112 = arith.constant 0 : i32
    %dma_wait3A_113 = tpu.memref_slice %arg2[%dma_wait3A_111, %dma_wait3A_112] : memref<32768x256xf32, #tpu.memory_space<hbm>> -> memref<32768x256xf32, #tpu.memory_space<hbm>>
    tpu.wait_indirect_dma semaphore(%arg17 : memref<!tpu.dma_semaphore, #tpu.memory_space<semaphore_mem>>) src(%dma_wait3A_113 : memref<32768x256xf32, #tpu.memory_space<hbm>>) dst(%arg10 : memref<64x256xf32, #tpu.memory_space<vmem>>)
    %add3A_114 = arith.constant 256 : i32
    %add3A_115 = arith.addi %mul3A_2, %add3A_114 : i32
    %dma_start3A_116 = arith.constant 0 : i32
    %dma_start3A_117 = tpu.memref_slice %arg4[%add3A_115, %dma_start3A_116] : memref<32768x256xf32, #tpu.memory_space<hbm>> -> memref<64x256xf32, #tpu.memory_space<hbm>>
    %dma_start3A_118 = arith.constant 0 : i32
    %dma_start3A_119 = tpu.memref_slice %arg4[%add3A_115, %dma_start3A_118] : memref<32768x256xf32, #tpu.memory_space<hbm>> -> memref<64x256xf32, #tpu.memory_space<hbm>>
    tpu.enqueue_dma source(%arg10 : memref<64x256xf32, #tpu.memory_space<vmem>>) target(%dma_start3A_119 : memref<64x256xf32, #tpu.memory_space<hbm>>) target_semaphore(%arg24 : memref<!tpu.dma_semaphore, #tpu.memory_space<semaphore_mem>>)
    %dma_wait3A_120 = arith.constant 0 : i32
    %dma_wait3A_121 = tpu.memref_slice %arg4[%add3A_95, %dma_wait3A_120] : memref<32768x256xf32, #tpu.memory_space<hbm>> -> memref<64x256xf32, #tpu.memory_space<hbm>>
    %dma_wait3A_122 = arith.constant 0 : i32
    %dma_wait3A_123 = tpu.memref_slice %arg4[%add3A_95, %dma_wait3A_122] : memref<32768x256xf32, #tpu.memory_space<hbm>> -> memref<64x256xf32, #tpu.memory_space<hbm>>
    tpu.wait_dma2 semaphore(%arg23 : memref<!tpu.dma_semaphore, #tpu.memory_space<semaphore_mem>>) src(%arg9 : memref<64x256xf32, #tpu.memory_space<vmem>>) dst(%dma_wait3A_123 : memref<64x256xf32, #tpu.memory_space<hbm>>)
    %dma_start3A_124 = arith.constant 640 : i32
    %dma_start3A_125 = tpu.memref_slice %arg5[%dma_start3A_124] : memref<1024xi32, #tpu.memory_space<vmem>> -> memref<64xi32, #tpu.memory_space<vmem>>
    %dma_start3A_126 = arith.constant 0 : i32
    %dma_start3A_127 = arith.constant 0 : i32
    %dma_start3A_128 = tpu.memref_slice %arg2[%dma_start3A_126, %dma_start3A_127] : memref<32768x256xf32, #tpu.memory_space<hbm>> -> memref<32768x256xf32, #tpu.memory_space<hbm>>
    tpu.enqueue_indirect_dma source(%dma_start3A_128 : memref<32768x256xf32, #tpu.memory_space<hbm>>) target(%arg9 : memref<64x256xf32, #tpu.memory_space<vmem>>) offsets(%dma_start3A_125 : memref<64xi32, #tpu.memory_space<vmem>>) semaphore(%arg16 : memref<!tpu.dma_semaphore, #tpu.memory_space<semaphore_mem>>)
    %dma_wait3A_129 = arith.constant 320 : i32
    %dma_wait3A_130 = tpu.memref_slice %arg5[%dma_wait3A_129] : memref<1024xi32, #tpu.memory_space<vmem>> -> memref<64xi32, #tpu.memory_space<vmem>>
    %dma_wait3A_131 = arith.constant 0 : i32
    %dma_wait3A_132 = arith.constant 0 : i32
    %dma_wait3A_133 = tpu.memref_slice %arg2[%dma_wait3A_131, %dma_wait3A_132] : memref<32768x256xf32, #tpu.memory_space<hbm>> -> memref<32768x256xf32, #tpu.memory_space<hbm>>
    tpu.wait_indirect_dma semaphore(%arg18 : memref<!tpu.dma_semaphore, #tpu.memory_space<semaphore_mem>>) src(%dma_wait3A_133 : memref<32768x256xf32, #tpu.memory_space<hbm>>) dst(%arg11 : memref<64x256xf32, #tpu.memory_space<vmem>>)
    %add3A_134 = arith.constant 320 : i32
    %add3A_135 = arith.addi %mul3A_2, %add3A_134 : i32
    %dma_start3A_136 = arith.constant 0 : i32
    %dma_start3A_137 = tpu.memref_slice %arg4[%add3A_135, %dma_start3A_136] : memref<32768x256xf32, #tpu.memory_space<hbm>> -> memref<64x256xf32, #tpu.memory_space<hbm>>
    %dma_start3A_138 = arith.constant 0 : i32
    %dma_start3A_139 = tpu.memref_slice %arg4[%add3A_135, %dma_start3A_138] : memref<32768x256xf32, #tpu.memory_space<hbm>> -> memref<64x256xf32, #tpu.memory_space<hbm>>
    tpu.enqueue_dma source(%arg11 : memref<64x256xf32, #tpu.memory_space<vmem>>) target(%dma_start3A_139 : memref<64x256xf32, #tpu.memory_space<hbm>>) target_semaphore(%arg25 : memref<!tpu.dma_semaphore, #tpu.memory_space<semaphore_mem>>)
    %dma_wait3A_140 = arith.constant 0 : i32
    %dma_wait3A_141 = tpu.memref_slice %arg4[%add3A_115, %dma_wait3A_140] : memref<32768x256xf32, #tpu.memory_space<hbm>> -> memref<64x256xf32, #tpu.memory_space<hbm>>
    %dma_wait3A_142 = arith.constant 0 : i32
    %dma_wait3A_143 = tpu.memref_slice %arg4[%add3A_115, %dma_wait3A_142] : memref<32768x256xf32, #tpu.memory_space<hbm>> -> memref<64x256xf32, #tpu.memory_space<hbm>>
    tpu.wait_dma2 semaphore(%arg24 : memref<!tpu.dma_semaphore, #tpu.memory_space<semaphore_mem>>) src(%arg10 : memref<64x256xf32, #tpu.memory_space<vmem>>) dst(%dma_wait3A_143 : memref<64x256xf32, #tpu.memory_space<hbm>>)
    %dma_start3A_144 = arith.constant 704 : i32
    %dma_start3A_145 = tpu.memref_slice %arg5[%dma_start3A_144] : memref<1024xi32, #tpu.memory_space<vmem>> -> memref<64xi32, #tpu.memory_space<vmem>>
    %dma_start3A_146 = arith.constant 0 : i32
    %dma_start3A_147 = arith.constant 0 : i32
    %dma_start3A_148 = tpu.memref_slice %arg2[%dma_start3A_146, %dma_start3A_147] : memref<32768x256xf32, #tpu.memory_space<hbm>> -> memref<32768x256xf32, #tpu.memory_space<hbm>>
    tpu.enqueue_indirect_dma source(%dma_start3A_148 : memref<32768x256xf32, #tpu.memory_space<hbm>>) target(%arg10 : memref<64x256xf32, #tpu.memory_space<vmem>>) offsets(%dma_start3A_145 : memref<64xi32, #tpu.memory_space<vmem>>) semaphore(%arg17 : memref<!tpu.dma_semaphore, #tpu.memory_space<semaphore_mem>>)
    %dma_wait3A_149 = arith.constant 384 : i32
    %dma_wait3A_150 = tpu.memref_slice %arg5[%dma_wait3A_149] : memref<1024xi32, #tpu.memory_space<vmem>> -> memref<64xi32, #tpu.memory_space<vmem>>
    %dma_wait3A_151 = arith.constant 0 : i32
    %dma_wait3A_152 = arith.constant 0 : i32
    %dma_wait3A_153 = tpu.memref_slice %arg2[%dma_wait3A_151, %dma_wait3A_152] : memref<32768x256xf32, #tpu.memory_space<hbm>> -> memref<32768x256xf32, #tpu.memory_space<hbm>>
    tpu.wait_indirect_dma semaphore(%arg19 : memref<!tpu.dma_semaphore, #tpu.memory_space<semaphore_mem>>) src(%dma_wait3A_153 : memref<32768x256xf32, #tpu.memory_space<hbm>>) dst(%arg12 : memref<64x256xf32, #tpu.memory_space<vmem>>)
    %add3A_154 = arith.constant 384 : i32
    %add3A_155 = arith.addi %mul3A_2, %add3A_154 : i32
    %dma_start3A_156 = arith.constant 0 : i32
    %dma_start3A_157 = tpu.memref_slice %arg4[%add3A_155, %dma_start3A_156] : memref<32768x256xf32, #tpu.memory_space<hbm>> -> memref<64x256xf32, #tpu.memory_space<hbm>>
    %dma_start3A_158 = arith.constant 0 : i32
    %dma_start3A_159 = tpu.memref_slice %arg4[%add3A_155, %dma_start3A_158] : memref<32768x256xf32, #tpu.memory_space<hbm>> -> memref<64x256xf32, #tpu.memory_space<hbm>>
    tpu.enqueue_dma source(%arg12 : memref<64x256xf32, #tpu.memory_space<vmem>>) target(%dma_start3A_159 : memref<64x256xf32, #tpu.memory_space<hbm>>) target_semaphore(%arg26 : memref<!tpu.dma_semaphore, #tpu.memory_space<semaphore_mem>>)
    %dma_wait3A_160 = arith.constant 0 : i32
    %dma_wait3A_161 = tpu.memref_slice %arg4[%add3A_135, %dma_wait3A_160] : memref<32768x256xf32, #tpu.memory_space<hbm>> -> memref<64x256xf32, #tpu.memory_space<hbm>>
    %dma_wait3A_162 = arith.constant 0 : i32
    %dma_wait3A_163 = tpu.memref_slice %arg4[%add3A_135, %dma_wait3A_162] : memref<32768x256xf32, #tpu.memory_space<hbm>> -> memref<64x256xf32, #tpu.memory_space<hbm>>
    tpu.wait_dma2 semaphore(%arg25 : memref<!tpu.dma_semaphore, #tpu.memory_space<semaphore_mem>>) src(%arg11 : memref<64x256xf32, #tpu.memory_space<vmem>>) dst(%dma_wait3A_163 : memref<64x256xf32, #tpu.memory_space<hbm>>)
    %dma_start3A_164 = arith.constant 768 : i32
    %dma_start3A_165 = tpu.memref_slice %arg5[%dma_start3A_164] : memref<1024xi32, #tpu.memory_space<vmem>> -> memref<64xi32, #tpu.memory_space<vmem>>
    %dma_start3A_166 = arith.constant 0 : i32
    %dma_start3A_167 = arith.constant 0 : i32
    %dma_start3A_168 = tpu.memref_slice %arg2[%dma_start3A_166, %dma_start3A_167] : memref<32768x256xf32, #tpu.memory_space<hbm>> -> memref<32768x256xf32, #tpu.memory_space<hbm>>
    tpu.enqueue_indirect_dma source(%dma_start3A_168 : memref<32768x256xf32, #tpu.memory_space<hbm>>) target(%arg11 : memref<64x256xf32, #tpu.memory_space<vmem>>) offsets(%dma_start3A_165 : memref<64xi32, #tpu.memory_space<vmem>>) semaphore(%arg18 : memref<!tpu.dma_semaphore, #tpu.memory_space<semaphore_mem>>)
    %dma_wait3A_169 = arith.constant 448 : i32
    %dma_wait3A_170 = tpu.memref_slice %arg5[%dma_wait3A_169] : memref<1024xi32, #tpu.memory_space<vmem>> -> memref<64xi32, #tpu.memory_space<vmem>>
    %dma_wait3A_171 = arith.constant 0 : i32
    %dma_wait3A_172 = arith.constant 0 : i32
    %dma_wait3A_173 = tpu.memref_slice %arg2[%dma_wait3A_171, %dma_wait3A_172] : memref<32768x256xf32, #tpu.memory_space<hbm>> -> memref<32768x256xf32, #tpu.memory_space<hbm>>
    tpu.wait_indirect_dma semaphore(%arg13 : memref<!tpu.dma_semaphore, #tpu.memory_space<semaphore_mem>>) src(%dma_wait3A_173 : memref<32768x256xf32, #tpu.memory_space<hbm>>) dst(%arg6 : memref<64x256xf32, #tpu.memory_space<vmem>>)
    %add3A_174 = arith.constant 448 : i32
    %add3A_175 = arith.addi %mul3A_2, %add3A_174 : i32
    %dma_start3A_176 = arith.constant 0 : i32
    %dma_start3A_177 = tpu.memref_slice %arg4[%add3A_175, %dma_start3A_176] : memref<32768x256xf32, #tpu.memory_space<hbm>> -> memref<64x256xf32, #tpu.memory_space<hbm>>
    %dma_start3A_178 = arith.constant 0 : i32
    %dma_start3A_179 = tpu.memref_slice %arg4[%add3A_175, %dma_start3A_178] : memref<32768x256xf32, #tpu.memory_space<hbm>> -> memref<64x256xf32, #tpu.memory_space<hbm>>
    tpu.enqueue_dma source(%arg6 : memref<64x256xf32, #tpu.memory_space<vmem>>) target(%dma_start3A_179 : memref<64x256xf32, #tpu.memory_space<hbm>>) target_semaphore(%arg20 : memref<!tpu.dma_semaphore, #tpu.memory_space<semaphore_mem>>)
    %dma_wait3A_180 = arith.constant 0 : i32
    %dma_wait3A_181 = tpu.memref_slice %arg4[%add3A_155, %dma_wait3A_180] : memref<32768x256xf32, #tpu.memory_space<hbm>> -> memref<64x256xf32, #tpu.memory_space<hbm>>
    %dma_wait3A_182 = arith.constant 0 : i32
    %dma_wait3A_183 = tpu.memref_slice %arg4[%add3A_155, %dma_wait3A_182] : memref<32768x256xf32, #tpu.memory_space<hbm>> -> memref<64x256xf32, #tpu.memory_space<hbm>>
    tpu.wait_dma2 semaphore(%arg26 : memref<!tpu.dma_semaphore, #tpu.memory_space<semaphore_mem>>) src(%arg12 : memref<64x256xf32, #tpu.memory_space<vmem>>) dst(%dma_wait3A_183 : memref<64x256xf32, #tpu.memory_space<hbm>>)
    %dma_start3A_184 = arith.constant 832 : i32
    %dma_start3A_185 = tpu.memref_slice %arg5[%dma_start3A_184] : memref<1024xi32, #tpu.memory_space<vmem>> -> memref<64xi32, #tpu.memory_space<vmem>>
    %dma_start3A_186 = arith.constant 0 : i32
    %dma_start3A_187 = arith.constant 0 : i32
    %dma_start3A_188 = tpu.memref_slice %arg2[%dma_start3A_186, %dma_start3A_187] : memref<32768x256xf32, #tpu.memory_space<hbm>> -> memref<32768x256xf32, #tpu.memory_space<hbm>>
    tpu.enqueue_indirect_dma source(%dma_start3A_188 : memref<32768x256xf32, #tpu.memory_space<hbm>>) target(%arg12 : memref<64x256xf32, #tpu.memory_space<vmem>>) offsets(%dma_start3A_185 : memref<64xi32, #tpu.memory_space<vmem>>) semaphore(%arg19 : memref<!tpu.dma_semaphore, #tpu.memory_space<semaphore_mem>>)
    %dma_wait3A_189 = arith.constant 512 : i32
    %dma_wait3A_190 = tpu.memref_slice %arg5[%dma_wait3A_189] : memref<1024xi32, #tpu.memory_space<vmem>> -> memref<64xi32, #tpu.memory_space<vmem>>
    %dma_wait3A_191 = arith.constant 0 : i32
    %dma_wait3A_192 = arith.constant 0 : i32
    %dma_wait3A_193 = tpu.memref_slice %arg2[%dma_wait3A_191, %dma_wait3A_192] : memref<32768x256xf32, #tpu.memory_space<hbm>> -> memref<32768x256xf32, #tpu.memory_space<hbm>>
    tpu.wait_indirect_dma semaphore(%arg14 : memref<!tpu.dma_semaphore, #tpu.memory_space<semaphore_mem>>) src(%dma_wait3A_193 : memref<32768x256xf32, #tpu.memory_space<hbm>>) dst(%arg7 : memref<64x256xf32, #tpu.memory_space<vmem>>)
    %add3A_194 = arith.constant 512 : i32
    %add3A_195 = arith.addi %mul3A_2, %add3A_194 : i32
    %dma_start3A_196 = arith.constant 0 : i32
    %dma_start3A_197 = tpu.memref_slice %arg4[%add3A_195, %dma_start3A_196] : memref<32768x256xf32, #tpu.memory_space<hbm>> -> memref<64x256xf32, #tpu.memory_space<hbm>>
    %dma_start3A_198 = arith.constant 0 : i32
    %dma_start3A_199 = tpu.memref_slice %arg4[%add3A_195, %dma_start3A_198] : memref<32768x256xf32, #tpu.memory_space<hbm>> -> memref<64x256xf32, #tpu.memory_space<hbm>>
    tpu.enqueue_dma source(%arg7 : memref<64x256xf32, #tpu.memory_space<vmem>>) target(%dma_start3A_199 : memref<64x256xf32, #tpu.memory_space<hbm>>) target_semaphore(%arg21 : memref<!tpu.dma_semaphore, #tpu.memory_space<semaphore_mem>>)
    %dma_wait3A_200 = arith.constant 0 : i32
    %dma_wait3A_201 = tpu.memref_slice %arg4[%add3A_175, %dma_wait3A_200] : memref<32768x256xf32, #tpu.memory_space<hbm>> -> memref<64x256xf32, #tpu.memory_space<hbm>>
    %dma_wait3A_202 = arith.constant 0 : i32
    %dma_wait3A_203 = tpu.memref_slice %arg4[%add3A_175, %dma_wait3A_202] : memref<32768x256xf32, #tpu.memory_space<hbm>> -> memref<64x256xf32, #tpu.memory_space<hbm>>
    tpu.wait_dma2 semaphore(%arg20 : memref<!tpu.dma_semaphore, #tpu.memory_space<semaphore_mem>>) src(%arg6 : memref<64x256xf32, #tpu.memory_space<vmem>>) dst(%dma_wait3A_203 : memref<64x256xf32, #tpu.memory_space<hbm>>)
    %dma_start3A_204 = arith.constant 896 : i32
    %dma_start3A_205 = tpu.memref_slice %arg5[%dma_start3A_204] : memref<1024xi32, #tpu.memory_space<vmem>> -> memref<64xi32, #tpu.memory_space<vmem>>
    %dma_start3A_206 = arith.constant 0 : i32
    %dma_start3A_207 = arith.constant 0 : i32
    %dma_start3A_208 = tpu.memref_slice %arg2[%dma_start3A_206, %dma_start3A_207] : memref<32768x256xf32, #tpu.memory_space<hbm>> -> memref<32768x256xf32, #tpu.memory_space<hbm>>
    tpu.enqueue_indirect_dma source(%dma_start3A_208 : memref<32768x256xf32, #tpu.memory_space<hbm>>) target(%arg6 : memref<64x256xf32, #tpu.memory_space<vmem>>) offsets(%dma_start3A_205 : memref<64xi32, #tpu.memory_space<vmem>>) semaphore(%arg13 : memref<!tpu.dma_semaphore, #tpu.memory_space<semaphore_mem>>)
    %dma_wait3A_209 = arith.constant 576 : i32
    %dma_wait3A_210 = tpu.memref_slice %arg5[%dma_wait3A_209] : memref<1024xi32, #tpu.memory_space<vmem>> -> memref<64xi32, #tpu.memory_space<vmem>>
    %dma_wait3A_211 = arith.constant 0 : i32
    %dma_wait3A_212 = arith.constant 0 : i32
    %dma_wait3A_213 = tpu.memref_slice %arg2[%dma_wait3A_211, %dma_wait3A_212] : memref<32768x256xf32, #tpu.memory_space<hbm>> -> memref<32768x256xf32, #tpu.memory_space<hbm>>
    tpu.wait_indirect_dma semaphore(%arg15 : memref<!tpu.dma_semaphore, #tpu.memory_space<semaphore_mem>>) src(%dma_wait3A_213 : memref<32768x256xf32, #tpu.memory_space<hbm>>) dst(%arg8 : memref<64x256xf32, #tpu.memory_space<vmem>>)
    %add3A_214 = arith.constant 576 : i32
    %add3A_215 = arith.addi %mul3A_2, %add3A_214 : i32
    %dma_start3A_216 = arith.constant 0 : i32
    %dma_start3A_217 = tpu.memref_slice %arg4[%add3A_215, %dma_start3A_216] : memref<32768x256xf32, #tpu.memory_space<hbm>> -> memref<64x256xf32, #tpu.memory_space<hbm>>
    %dma_start3A_218 = arith.constant 0 : i32
    %dma_start3A_219 = tpu.memref_slice %arg4[%add3A_215, %dma_start3A_218] : memref<32768x256xf32, #tpu.memory_space<hbm>> -> memref<64x256xf32, #tpu.memory_space<hbm>>
    tpu.enqueue_dma source(%arg8 : memref<64x256xf32, #tpu.memory_space<vmem>>) target(%dma_start3A_219 : memref<64x256xf32, #tpu.memory_space<hbm>>) target_semaphore(%arg22 : memref<!tpu.dma_semaphore, #tpu.memory_space<semaphore_mem>>)
    %dma_wait3A_220 = arith.constant 0 : i32
    %dma_wait3A_221 = tpu.memref_slice %arg4[%add3A_195, %dma_wait3A_220] : memref<32768x256xf32, #tpu.memory_space<hbm>> -> memref<64x256xf32, #tpu.memory_space<hbm>>
    %dma_wait3A_222 = arith.constant 0 : i32
    %dma_wait3A_223 = tpu.memref_slice %arg4[%add3A_195, %dma_wait3A_222] : memref<32768x256xf32, #tpu.memory_space<hbm>> -> memref<64x256xf32, #tpu.memory_space<hbm>>
    tpu.wait_dma2 semaphore(%arg21 : memref<!tpu.dma_semaphore, #tpu.memory_space<semaphore_mem>>) src(%arg7 : memref<64x256xf32, #tpu.memory_space<vmem>>) dst(%dma_wait3A_223 : memref<64x256xf32, #tpu.memory_space<hbm>>)
    %dma_start3A_224 = arith.constant 960 : i32
    %dma_start3A_225 = tpu.memref_slice %arg5[%dma_start3A_224] : memref<1024xi32, #tpu.memory_space<vmem>> -> memref<64xi32, #tpu.memory_space<vmem>>
    %dma_start3A_226 = arith.constant 0 : i32
    %dma_start3A_227 = arith.constant 0 : i32
    %dma_start3A_228 = tpu.memref_slice %arg2[%dma_start3A_226, %dma_start3A_227] : memref<32768x256xf32, #tpu.memory_space<hbm>> -> memref<32768x256xf32, #tpu.memory_space<hbm>>
    tpu.enqueue_indirect_dma source(%dma_start3A_228 : memref<32768x256xf32, #tpu.memory_space<hbm>>) target(%arg7 : memref<64x256xf32, #tpu.memory_space<vmem>>) offsets(%dma_start3A_225 : memref<64xi32, #tpu.memory_space<vmem>>) semaphore(%arg14 : memref<!tpu.dma_semaphore, #tpu.memory_space<semaphore_mem>>)
    %dma_wait3A_229 = arith.constant 640 : i32
    %dma_wait3A_230 = tpu.memref_slice %arg5[%dma_wait3A_229] : memref<1024xi32, #tpu.memory_space<vmem>> -> memref<64xi32, #tpu.memory_space<vmem>>
    %dma_wait3A_231 = arith.constant 0 : i32
    %dma_wait3A_232 = arith.constant 0 : i32
    %dma_wait3A_233 = tpu.memref_slice %arg2[%dma_wait3A_231, %dma_wait3A_232] : memref<32768x256xf32, #tpu.memory_space<hbm>> -> memref<32768x256xf32, #tpu.memory_space<hbm>>
    tpu.wait_indirect_dma semaphore(%arg16 : memref<!tpu.dma_semaphore, #tpu.memory_space<semaphore_mem>>) src(%dma_wait3A_233 : memref<32768x256xf32, #tpu.memory_space<hbm>>) dst(%arg9 : memref<64x256xf32, #tpu.memory_space<vmem>>)
    %add3A_234 = arith.constant 640 : i32
    %add3A_235 = arith.addi %mul3A_2, %add3A_234 : i32
    %dma_start3A_236 = arith.constant 0 : i32
    %dma_start3A_237 = tpu.memref_slice %arg4[%add3A_235, %dma_start3A_236] : memref<32768x256xf32, #tpu.memory_space<hbm>> -> memref<64x256xf32, #tpu.memory_space<hbm>>
    %dma_start3A_238 = arith.constant 0 : i32
    %dma_start3A_239 = tpu.memref_slice %arg4[%add3A_235, %dma_start3A_238] : memref<32768x256xf32, #tpu.memory_space<hbm>> -> memref<64x256xf32, #tpu.memory_space<hbm>>
    tpu.enqueue_dma source(%arg9 : memref<64x256xf32, #tpu.memory_space<vmem>>) target(%dma_start3A_239 : memref<64x256xf32, #tpu.memory_space<hbm>>) target_semaphore(%arg23 : memref<!tpu.dma_semaphore, #tpu.memory_space<semaphore_mem>>)
    %dma_wait3A_240 = arith.constant 704 : i32
    %dma_wait3A_241 = tpu.memref_slice %arg5[%dma_wait3A_240] : memref<1024xi32, #tpu.memory_space<vmem>> -> memref<64xi32, #tpu.memory_space<vmem>>
    %dma_wait3A_242 = arith.constant 0 : i32
    %dma_wait3A_243 = arith.constant 0 : i32
    %dma_wait3A_244 = tpu.memref_slice %arg2[%dma_wait3A_242, %dma_wait3A_243] : memref<32768x256xf32, #tpu.memory_space<hbm>> -> memref<32768x256xf32, #tpu.memory_space<hbm>>
    tpu.wait_indirect_dma semaphore(%arg17 : memref<!tpu.dma_semaphore, #tpu.memory_space<semaphore_mem>>) src(%dma_wait3A_244 : memref<32768x256xf32, #tpu.memory_space<hbm>>) dst(%arg10 : memref<64x256xf32, #tpu.memory_space<vmem>>)
    %add3A_245 = arith.constant 704 : i32
    %add3A_246 = arith.addi %mul3A_2, %add3A_245 : i32
    %dma_start3A_247 = arith.constant 0 : i32
    %dma_start3A_248 = tpu.memref_slice %arg4[%add3A_246, %dma_start3A_247] : memref<32768x256xf32, #tpu.memory_space<hbm>> -> memref<64x256xf32, #tpu.memory_space<hbm>>
    %dma_start3A_249 = arith.constant 0 : i32
    %dma_start3A_250 = tpu.memref_slice %arg4[%add3A_246, %dma_start3A_249] : memref<32768x256xf32, #tpu.memory_space<hbm>> -> memref<64x256xf32, #tpu.memory_space<hbm>>
    tpu.enqueue_dma source(%arg10 : memref<64x256xf32, #tpu.memory_space<vmem>>) target(%dma_start3A_250 : memref<64x256xf32, #tpu.memory_space<hbm>>) target_semaphore(%arg24 : memref<!tpu.dma_semaphore, #tpu.memory_space<semaphore_mem>>)
    %dma_wait3A_251 = arith.constant 768 : i32
    %dma_wait3A_252 = tpu.memref_slice %arg5[%dma_wait3A_251] : memref<1024xi32, #tpu.memory_space<vmem>> -> memref<64xi32, #tpu.memory_space<vmem>>
    %dma_wait3A_253 = arith.constant 0 : i32
    %dma_wait3A_254 = arith.constant 0 : i32
    %dma_wait3A_255 = tpu.memref_slice %arg2[%dma_wait3A_253, %dma_wait3A_254] : memref<32768x256xf32, #tpu.memory_space<hbm>> -> memref<32768x256xf32, #tpu.memory_space<hbm>>
    tpu.wait_indirect_dma semaphore(%arg18 : memref<!tpu.dma_semaphore, #tpu.memory_space<semaphore_mem>>) src(%dma_wait3A_255 : memref<32768x256xf32, #tpu.memory_space<hbm>>) dst(%arg11 : memref<64x256xf32, #tpu.memory_space<vmem>>)
    %add3A_256 = arith.constant 768 : i32
    %add3A_257 = arith.addi %mul3A_2, %add3A_256 : i32
    %dma_start3A_258 = arith.constant 0 : i32
    %dma_start3A_259 = tpu.memref_slice %arg4[%add3A_257, %dma_start3A_258] : memref<32768x256xf32, #tpu.memory_space<hbm>> -> memref<64x256xf32, #tpu.memory_space<hbm>>
    %dma_start3A_260 = arith.constant 0 : i32
    %dma_start3A_261 = tpu.memref_slice %arg4[%add3A_257, %dma_start3A_260] : memref<32768x256xf32, #tpu.memory_space<hbm>> -> memref<64x256xf32, #tpu.memory_space<hbm>>
    tpu.enqueue_dma source(%arg11 : memref<64x256xf32, #tpu.memory_space<vmem>>) target(%dma_start3A_261 : memref<64x256xf32, #tpu.memory_space<hbm>>) target_semaphore(%arg25 : memref<!tpu.dma_semaphore, #tpu.memory_space<semaphore_mem>>)
    %dma_wait3A_262 = arith.constant 832 : i32
    %dma_wait3A_263 = tpu.memref_slice %arg5[%dma_wait3A_262] : memref<1024xi32, #tpu.memory_space<vmem>> -> memref<64xi32, #tpu.memory_space<vmem>>
    %dma_wait3A_264 = arith.constant 0 : i32
    %dma_wait3A_265 = arith.constant 0 : i32
    %dma_wait3A_266 = tpu.memref_slice %arg2[%dma_wait3A_264, %dma_wait3A_265] : memref<32768x256xf32, #tpu.memory_space<hbm>> -> memref<32768x256xf32, #tpu.memory_space<hbm>>
    tpu.wait_indirect_dma semaphore(%arg19 : memref<!tpu.dma_semaphore, #tpu.memory_space<semaphore_mem>>) src(%dma_wait3A_266 : memref<32768x256xf32, #tpu.memory_space<hbm>>) dst(%arg12 : memref<64x256xf32, #tpu.memory_space<vmem>>)
    %add3A_267 = arith.constant 832 : i32
    %add3A_268 = arith.addi %mul3A_2, %add3A_267 : i32
    %dma_start3A_269 = arith.constant 0 : i32
    %dma_start3A_270 = tpu.memref_slice %arg4[%add3A_268, %dma_start3A_269] : memref<32768x256xf32, #tpu.memory_space<hbm>> -> memref<64x256xf32, #tpu.memory_space<hbm>>
    %dma_start3A_271 = arith.constant 0 : i32
    %dma_start3A_272 = tpu.memref_slice %arg4[%add3A_268, %dma_start3A_271] : memref<32768x256xf32, #tpu.memory_space<hbm>> -> memref<64x256xf32, #tpu.memory_space<hbm>>
    tpu.enqueue_dma source(%arg12 : memref<64x256xf32, #tpu.memory_space<vmem>>) target(%dma_start3A_272 : memref<64x256xf32, #tpu.memory_space<hbm>>) target_semaphore(%arg26 : memref<!tpu.dma_semaphore, #tpu.memory_space<semaphore_mem>>)
    %dma_wait3A_273 = arith.constant 896 : i32
    %dma_wait3A_274 = tpu.memref_slice %arg5[%dma_wait3A_273] : memref<1024xi32, #tpu.memory_space<vmem>> -> memref<64xi32, #tpu.memory_space<vmem>>
    %dma_wait3A_275 = arith.constant 0 : i32
    %dma_wait3A_276 = arith.constant 0 : i32
    %dma_wait3A_277 = tpu.memref_slice %arg2[%dma_wait3A_275, %dma_wait3A_276] : memref<32768x256xf32, #tpu.memory_space<hbm>> -> memref<32768x256xf32, #tpu.memory_space<hbm>>
    tpu.wait_indirect_dma semaphore(%arg13 : memref<!tpu.dma_semaphore, #tpu.memory_space<semaphore_mem>>) src(%dma_wait3A_277 : memref<32768x256xf32, #tpu.memory_space<hbm>>) dst(%arg6 : memref<64x256xf32, #tpu.memory_space<vmem>>)
    %add3A_278 = arith.constant 896 : i32
    %add3A_279 = arith.addi %mul3A_2, %add3A_278 : i32
    %dma_start3A_280 = arith.constant 0 : i32
    %dma_start3A_281 = tpu.memref_slice %arg4[%add3A_279, %dma_start3A_280] : memref<32768x256xf32, #tpu.memory_space<hbm>> -> memref<64x256xf32, #tpu.memory_space<hbm>>
    %dma_start3A_282 = arith.constant 0 : i32
    %dma_start3A_283 = tpu.memref_slice %arg4[%add3A_279, %dma_start3A_282] : memref<32768x256xf32, #tpu.memory_space<hbm>> -> memref<64x256xf32, #tpu.memory_space<hbm>>
    tpu.enqueue_dma source(%arg6 : memref<64x256xf32, #tpu.memory_space<vmem>>) target(%dma_start3A_283 : memref<64x256xf32, #tpu.memory_space<hbm>>) target_semaphore(%arg20 : memref<!tpu.dma_semaphore, #tpu.memory_space<semaphore_mem>>)
    %dma_wait3A_284 = arith.constant 960 : i32
    %dma_wait3A_285 = tpu.memref_slice %arg5[%dma_wait3A_284] : memref<1024xi32, #tpu.memory_space<vmem>> -> memref<64xi32, #tpu.memory_space<vmem>>
    %dma_wait3A_286 = arith.constant 0 : i32
    %dma_wait3A_287 = arith.constant 0 : i32
    %dma_wait3A_288 = tpu.memref_slice %arg2[%dma_wait3A_286, %dma_wait3A_287] : memref<32768x256xf32, #tpu.memory_space<hbm>> -> memref<32768x256xf32, #tpu.memory_space<hbm>>
    tpu.wait_indirect_dma semaphore(%arg14 : memref<!tpu.dma_semaphore, #tpu.memory_space<semaphore_mem>>) src(%dma_wait3A_288 : memref<32768x256xf32, #tpu.memory_space<hbm>>) dst(%arg7 : memref<64x256xf32, #tpu.memory_space<vmem>>)
    %add3A_289 = arith.constant 960 : i32
    %add3A_290 = arith.addi %mul3A_2, %add3A_289 : i32
    %dma_start3A_291 = arith.constant 0 : i32
    %dma_start3A_292 = tpu.memref_slice %arg4[%add3A_290, %dma_start3A_291] : memref<32768x256xf32, #tpu.memory_space<hbm>> -> memref<64x256xf32, #tpu.memory_space<hbm>>
    %dma_start3A_293 = arith.constant 0 : i32
    %dma_start3A_294 = tpu.memref_slice %arg4[%add3A_290, %dma_start3A_293] : memref<32768x256xf32, #tpu.memory_space<hbm>> -> memref<64x256xf32, #tpu.memory_space<hbm>>
    tpu.enqueue_dma source(%arg7 : memref<64x256xf32, #tpu.memory_space<vmem>>) target(%dma_start3A_294 : memref<64x256xf32, #tpu.memory_space<hbm>>) target_semaphore(%arg21 : memref<!tpu.dma_semaphore, #tpu.memory_space<semaphore_mem>>)
    %dma_wait3A_295 = arith.constant 0 : i32
    %dma_wait3A_296 = tpu.memref_slice %arg4[%add3A_215, %dma_wait3A_295] : memref<32768x256xf32, #tpu.memory_space<hbm>> -> memref<64x256xf32, #tpu.memory_space<hbm>>
    %dma_wait3A_297 = arith.constant 0 : i32
    %dma_wait3A_298 = tpu.memref_slice %arg4[%add3A_215, %dma_wait3A_297] : memref<32768x256xf32, #tpu.memory_space<hbm>> -> memref<64x256xf32, #tpu.memory_space<hbm>>
    tpu.wait_dma2 semaphore(%arg22 : memref<!tpu.dma_semaphore, #tpu.memory_space<semaphore_mem>>) src(%arg8 : memref<64x256xf32, #tpu.memory_space<vmem>>) dst(%dma_wait3A_298 : memref<64x256xf32, #tpu.memory_space<hbm>>)
    %dma_wait3A_299 = arith.constant 0 : i32
    %dma_wait3A_300 = tpu.memref_slice %arg4[%add3A_235, %dma_wait3A_299] : memref<32768x256xf32, #tpu.memory_space<hbm>> -> memref<64x256xf32, #tpu.memory_space<hbm>>
    %dma_wait3A_301 = arith.constant 0 : i32
    %dma_wait3A_302 = tpu.memref_slice %arg4[%add3A_235, %dma_wait3A_301] : memref<32768x256xf32, #tpu.memory_space<hbm>> -> memref<64x256xf32, #tpu.memory_space<hbm>>
    tpu.wait_dma2 semaphore(%arg23 : memref<!tpu.dma_semaphore, #tpu.memory_space<semaphore_mem>>) src(%arg9 : memref<64x256xf32, #tpu.memory_space<vmem>>) dst(%dma_wait3A_302 : memref<64x256xf32, #tpu.memory_space<hbm>>)
    %dma_wait3A_303 = arith.constant 0 : i32
    %dma_wait3A_304 = tpu.memref_slice %arg4[%add3A_246, %dma_wait3A_303] : memref<32768x256xf32, #tpu.memory_space<hbm>> -> memref<64x256xf32, #tpu.memory_space<hbm>>
    %dma_wait3A_305 = arith.constant 0 : i32
    %dma_wait3A_306 = tpu.memref_slice %arg4[%add3A_246, %dma_wait3A_305] : memref<32768x256xf32, #tpu.memory_space<hbm>> -> memref<64x256xf32, #tpu.memory_space<hbm>>
    tpu.wait_dma2 semaphore(%arg24 : memref<!tpu.dma_semaphore, #tpu.memory_space<semaphore_mem>>) src(%arg10 : memref<64x256xf32, #tpu.memory_space<vmem>>) dst(%dma_wait3A_306 : memref<64x256xf32, #tpu.memory_space<hbm>>)
    %dma_wait3A_307 = arith.constant 0 : i32
    %dma_wait3A_308 = tpu.memref_slice %arg4[%add3A_257, %dma_wait3A_307] : memref<32768x256xf32, #tpu.memory_space<hbm>> -> memref<64x256xf32, #tpu.memory_space<hbm>>
    %dma_wait3A_309 = arith.constant 0 : i32
    %dma_wait3A_310 = tpu.memref_slice %arg4[%add3A_257, %dma_wait3A_309] : memref<32768x256xf32, #tpu.memory_space<hbm>> -> memref<64x256xf32, #tpu.memory_space<hbm>>
    tpu.wait_dma2 semaphore(%arg25 : memref<!tpu.dma_semaphore, #tpu.memory_space<semaphore_mem>>) src(%arg11 : memref<64x256xf32, #tpu.memory_space<vmem>>) dst(%dma_wait3A_310 : memref<64x256xf32, #tpu.memory_space<hbm>>)
    %dma_wait3A_311 = arith.constant 0 : i32
    %dma_wait3A_312 = tpu.memref_slice %arg4[%add3A_268, %dma_wait3A_311] : memref<32768x256xf32, #tpu.memory_space<hbm>> -> memref<64x256xf32, #tpu.memory_space<hbm>>
    %dma_wait3A_313 = arith.constant 0 : i32
    %dma_wait3A_314 = tpu.memref_slice %arg4[%add3A_268, %dma_wait3A_313] : memref<32768x256xf32, #tpu.memory_space<hbm>> -> memref<64x256xf32, #tpu.memory_space<hbm>>
    tpu.wait_dma2 semaphore(%arg26 : memref<!tpu.dma_semaphore, #tpu.memory_space<semaphore_mem>>) src(%arg12 : memref<64x256xf32, #tpu.memory_space<vmem>>) dst(%dma_wait3A_314 : memref<64x256xf32, #tpu.memory_space<hbm>>)
    %dma_wait3A_315 = arith.constant 0 : i32
    %dma_wait3A_316 = tpu.memref_slice %arg4[%add3A_279, %dma_wait3A_315] : memref<32768x256xf32, #tpu.memory_space<hbm>> -> memref<64x256xf32, #tpu.memory_space<hbm>>
    %dma_wait3A_317 = arith.constant 0 : i32
    %dma_wait3A_318 = tpu.memref_slice %arg4[%add3A_279, %dma_wait3A_317] : memref<32768x256xf32, #tpu.memory_space<hbm>> -> memref<64x256xf32, #tpu.memory_space<hbm>>
    tpu.wait_dma2 semaphore(%arg20 : memref<!tpu.dma_semaphore, #tpu.memory_space<semaphore_mem>>) src(%arg6 : memref<64x256xf32, #tpu.memory_space<vmem>>) dst(%dma_wait3A_318 : memref<64x256xf32, #tpu.memory_space<hbm>>)
    %dma_wait3A_319 = arith.constant 0 : i32
    %dma_wait3A_320 = tpu.memref_slice %arg4[%add3A_290, %dma_wait3A_319] : memref<32768x256xf32, #tpu.memory_space<hbm>> -> memref<64x256xf32, #tpu.memory_space<hbm>>
    %dma_wait3A_321 = arith.constant 0 : i32
    %dma_wait3A_322 = tpu.memref_slice %arg4[%add3A_290, %dma_wait3A_321] : memref<32768x256xf32, #tpu.memory_space<hbm>> -> memref<64x256xf32, #tpu.memory_space<hbm>>
    tpu.wait_dma2 semaphore(%arg21 : memref<!tpu.dma_semaphore, #tpu.memory_space<semaphore_mem>>) src(%arg7 : memref<64x256xf32, #tpu.memory_space<vmem>>) dst(%dma_wait3A_322 : memref<64x256xf32, #tpu.memory_space<hbm>>)
    return
  }
}

</mosaic_0001>

<sc_bundles>
// kernel: kernel.3.cloned.1.call-start
scs
__scs_entry_jumppad:
0x0: {  	(pc) =	sbr.rel $0x88, $3  }
0x1: {  	(tag) =	ssettag $0x0;
	lr =	simm.s32 $0x1  }
0x2: {  	[smem:$0x3F9F] =	sst lr;
	_ =	strace $0xD0000000  }
0x3: {  	_ = 	snop  }
0x4: {  	_ = 	snop  }
0x5: {  	_ = 	snop  }
0x6: {  	_ = 	snop  }
0x7: {  	_ = 	snop  }
__scs_overlays_trampoline_lowered:
0x8: {  	[smem:$0x3FAE] =	sst s0  }
0x9: {  	[smem:$0x3FAF] =	sst s1  }
0xa: {  	[smem:$0x3FB0] =	sst s2  }
0xb: {  	[smem:$0x3FB1] =	sst s3  }
0xc: {  	[smem:$0x3FB2] =	sst s4  }
0xd: {  	[smem:$0x3FB3] =	sst s5  }
0xe: {  	[smem:$0x3FB4] =	sst s6  }
0xf: {  	[smem:$0x3FB5] =	sst s7  }
0x10: {  	[smem:$0x3FB6] =	sst s8  }
0x11: {  	[smem:$0x3FB7] =	sst s9;
	s0 =	simm.s32 @!p0 $0x0  }
0x12: {  	s1 =	sld [smem:$0x3F9D];
	s0 =	simm.s32 @p0 $0x1  }
0x13: {  	[smem:$0x3FB8] =	sst s0;
	s0 =	simm.s32 @!p1 $0x0  }
0x14: {  	s2 =	sld [smem:$0x3F9C];
	s0 =	simm.s32 @p1 $0x1  }
0x15: {  	[smem:$0x3FB9] =	sst s0;
	s0 =	simm.s32 @!p2 $0x0  }
0x16: {  	s3 =	sld [smem:$0x3FDB];
	s0 =	simm.s32 @p2 $0x1  }
0x17: {  	s4 =	simm.s32 $0x1BF5;
	[smem:$0x3FBB] =	sst s0  }
0x18: {  	s0 =	sld [smem:$0x3F9E];
	_ =	swait.ge [sflag:s4], $0x0  }
0x19: {  	s7 =	sld [smem:$0x3F9F]  }
0x1a: {  	s8 =	sadd.s32 $0xFFFFE003, lr  }
0x1b: {  	s9 =	sadd.s32 $0xFFFFFEF7, lr;
	s5 =	simm.s32 $0xFFFFFFFF;
	p2 =	slt.u32 s8, $0xFFFFF086  }
0x1c: {  	p1 =	slt.u32 s9, $0xF7A;
	s5 =	simm.s32 @!p2 $0x0  }
0x1d: {  	s5 =	simm.s32 @p1 $0x1;
	p0 =	seq.s32 s7, s2  }
0x1e: {  	s7 =	smul.u32 @!p0 $0xF7A, s2;
	p2 =	seq.s32 @!p0 s5, $0x0  }
0x1f: {  	s9 =	smul.u32 $0xF7A, s1;
	s8 =	simm.s32 @!p0 $0x1BF5;
	p2 =	por !p2, p0  }
0x20: {  	[sflag:s8] =	ssyncset.s32 @!p0 $0xFFFFF086;
	s6 =	sadd.s32 @!p0 s3, s7;
	s7 =	simm.s32 @!p0 $0x108  }
0x21: {  	s3 =	sadd.s32 s3, s9;
	s6 =	sadd.s32 @!p0 $0x88, s6;
	s7 =	simm.s32 @p2 $0x1082  }
0x22: {  	[simem:s7], [sflag:s8] =	dma.local @!p0 [hbm:s6], $0xF7A  }
0x23: {  	s9 =	sor.u32 $0xD0000000, s2;
	s6 =	simm.s32 $0x108;
	_ =	swait.ge @!p0 [sflag:s8], $0x0  }
0x24: {  	s3 =	sadd.s32 $0x88, s3;
	s6 =	simm.s32 @!p1 $0x1082;
	[sflag:s4] =	ssyncset.s32 $0xFFFFF086  }
0x25: {  	[simem:s6], [sflag:s4] =	dma.local [hbm:s3], $0xF7A  }
0x26: {  	[smem:$0x3F9F] =	sst s1;
	(tag) =	ssettag s2;
	_ =	strace s9  }
0x27: {  	s1 =	sld [smem:$0x3FAF]  }
0x28: {  	s2 =	sld [smem:$0x3FB0]  }
0x29: {  	s4 =	sld [smem:$0x3FB2]  }
0x2a: {  	p0 =	seq.s32 s5, $0x0;
	s5 =	sld [smem:$0x3FB3]  }
0x2b: {  	s6 =	sld [smem:$0x3FB4]  }
0x2c: {  	s7 =	sld [smem:$0x3FB5]  }
0x2d: {  	s3 =	simm.s32 $0x108;
	s8 =	sld [smem:$0x3FB6]  }
0x2e: {  	s3 =	simm.s32 @!p0 $0x1082;
	s9 =	sld [smem:$0x3FB7]  }
0x2f: {  	lr =	sadd.s32 s0, s3;
	s0 =	sld [smem:$0x3FAE]  }
0x30: {  	s3 =	sld [smem:$0x3FB1]  }
0x31: {  	[smem:$0x3FBA] =	sst s10  }
0x32: {  	s10 =	sld [smem:$0x3FB8];
	_ =	sdelay $0x3  }
0x33: {  	p0 =	seq.s32 s10, $0x1;
	s10 =	sld [smem:$0x3FBA];
	_ =	sdelay $0x3  }
0x34: {  	[smem:$0x3FBA] =	sst s10  }
0x35: {  	s10 =	sld [smem:$0x3FB9];
	_ =	sdelay $0x3  }
0x36: {  	p1 =	seq.s32 s10, $0x1;
	s10 =	sld [smem:$0x3FBA];
	_ =	sdelay $0x3  }
0x37: {  	[smem:$0x3FBA] =	sst s10  }
0x38: {  	s10 =	sld [smem:$0x3FBB]  }
0x39: {  	_ = 	snop;
	(pc) =	sbr.ind lr, $3  }
0x3a: {  	_ = 	snop  }
0x3b: {  	_ = 	snop  }
0x3c: {  	p2 =	seq.s32 s10, $0x1;
	s10 =	sld [smem:$0x3FBA]  }
0x3d: {  	_ =	shalt  }
0x3e: {  	_ =	shalt  }
0x3f: {  	_ =	shalt  }
0x40: {  	_ =	shalt  }
0x41: {  	_ =	shalt  }
0x42: {  	_ =	shalt  }
0x43: {  	_ =	shalt  }
0x44: {  	_ =	shalt  }
0x45: {  	_ =	shalt  }
0x46: {  	_ =	shalt  }
0x47: {  	_ =	shalt  }
0x48: {  	_ =	shalt  }
0x49: {  	_ =	shalt  }
0x4a: {  	_ =	shalt  }
0x4b: {  	_ =	shalt  }
0x4c: {  	_ =	shalt  }
0x4d: {  	_ =	shalt  }
0x4e: {  	_ =	shalt  }
0x4f: {  	_ =	shalt  }
0x50: {  	_ =	shalt  }
0x51: {  	_ =	shalt  }
0x52: {  	_ =	shalt  }
0x53: {  	_ =	shalt  }
0x54: {  	_ =	shalt  }
0x55: {  	_ =	shalt  }
0x56: {  	_ =	shalt  }
0x57: {  	_ =	shalt  }
0x58: {  	_ =	shalt  }
0x59: {  	_ =	shalt  }
0x5a: {  	_ =	shalt  }
0x5b: {  	_ =	shalt  }
0x5c: {  	_ =	shalt  }
0x5d: {  	_ =	shalt  }
0x5e: {  	_ =	shalt  }
0x5f: {  	_ =	shalt  }
0x60: {  	_ =	shalt  }
0x61: {  	_ =	shalt  }
0x62: {  	_ =	shalt  }
0x63: {  	_ =	shalt  }
0x64: {  	_ =	shalt  }
0x65: {  	_ =	shalt  }
0x66: {  	_ =	shalt  }
0x67: {  	_ =	shalt  }
0x68: {  	_ =	shalt  }
0x69: {  	_ =	shalt  }
0x6a: {  	_ =	shalt  }
0x6b: {  	_ =	shalt  }
0x6c: {  	_ =	shalt  }
0x6d: {  	_ =	shalt  }
0x6e: {  	_ =	shalt  }
0x6f: {  	_ =	shalt  }
0x70: {  	_ =	shalt  }
0x71: {  	_ =	shalt  }
0x72: {  	_ =	shalt  }
0x73: {  	_ =	shalt  }
0x74: {  	_ =	shalt  }
0x75: {  	_ =	shalt  }
0x76: {  	_ =	shalt  }
0x77: {  	_ =	shalt  }
0x78: {  	_ =	shalt  }
0x79: {  	_ =	shalt  }
0x7a: {  	_ =	shalt  }
0x7b: {  	_ =	shalt  }
0x7c: {  	_ =	shalt  }
0x7d: {  	_ =	shalt  }
0x7e: {  	_ =	shalt  }
0x7f: {  	_ =	shalt  }
0x80: {  	_ =	shalt  }
0x81: {  	_ =	shalt  }
0x82: {  	_ =	shalt  }
0x83: {  	_ =	shalt  }
0x84: {  	_ =	shalt  }
0x85: {  	_ =	shalt  }
0x86: {  	_ =	shalt  }
0x87: {  	_ =	shalt  }
.Lfunc_end0:
.L_simem_size_0:
called_computation_lowered:
.L_overlay_start_0:
0x88: {  	s2 =	sld [smem:$0x3FD9]  }
0x89: {  	s3 =	sld [smem:$0x3FFE];
	_ =	sdelay $0x1  }
0x8a: {  	s1 =	srdreg.scid  }
0x8b: {  	s0 =	sand.u32 $0x1, s1  }
0x8c: {  	s18 =	sshll.u32 s0, $0xA;
	s2 =	sadd.s32 s3, s2  }
0x8d: {  	s2 =	sadd.s32 s2, s18  }
0x8e: {  	[smem:$0x3FC6] =	sst s2  }
0x8f: {  	_ = 	snop  }
0x90: {  	s2 =	sld [smem:$0x3FC9]  }
0x91: {  	s19 =	sld [smem:$0x3FC8]  }
0x92: {  	s4 =	sld [smem:$0x3FD0];
	(tm) =	ssettm $0x1  }
0x93: {  	s5 =	sld [smem:$0x3FFB];
	_ =	sdelay $0x3  }
0x94: {  	_ =	strace s5  }
0x95: {  	s5 =	sld [smem:$0x3FFC];
	_ =	sdelay $0x3  }
0x96: {  	_ =	strace s5  }
0x97: {  	s5 =	sld [smem:$0x3FFD];
	_ =	sdelay $0x3  }
0x98: {  	_ =	strace s5  }
0x99: {  	_ =	strace $0x8FFFFFFF  }
0x9a: {  	s20 =	sld [smem:$0x3FDB];
	_ =	sdelay $0x1  }
0x9b: {  	s6 =	simm.s32 $_scs_section_size  }
0x9c: {  	s7 =	simm.s32 $_size__tile_overlayer_lowered;
	s8 =	simm.s32 $_tile_overlayer_lowered  }
0x9d: {  	s23 =	simm.s32 $0x1BFF;
	s22 =	sshll.u32 s8, $0x1;
	s5 =	sadd.s32 s6, s20  }
0x9e: {  	s9 =	simm.s32 $0x0;
	s21 =	sshll.u32 s7, $0x1;
	s7 =	sadd.s32 s22, s5  }
0x9f: {  	[timem:s9], [sflag:s23] =	dma.local [hbm:s7], s21  }
0xa0: {  	_ =	swait.ge [sflag:s23], s21  }
0xa1: {  	s6 =	ssub.s32 $0x0, s21;
	[sflag:s23] =	ssyncset.done $0x0  }
0xa2: {  	[sflag:s23] =	ssyncadd.s32 s6;
	_ =	sdelay $0x1  }
0xa3: {  	s24 =	simm.s32 $0x1B8B  }
0xa4: {  	_ =	swait.ge [sflag:s24], $0x1  }
0xa5: {  	[sflag:s24] =	ssyncset.done $0x0  }
0xa6: {  	s25 =	simm.s32 $0x1B8E;
	[sflag:s24] =	ssyncadd.s32 $0xFFFFFFFF  }
0xa7: {  	s26 =	simm.s32 $execute0_lowered;
	[smem:$0x3FD2] =	sst s25  }
0xa8: {  	s6 =	sshll.u32 s26, $0x1;
	_ =	strace $0x80000046;
	[dreg:$0x1] =	wrdreg $0xFFFFFFFF  }
0xa9: {  	s28 =	simm.s32 $_size_execute0_lowered;
	s5 =	sadd.s32 s5, s6;
	[dreg:$0x0] =	wrdreg $0x0  }
0xaa: {  	s6 =	sshll.u32 s28, $0x1;
	[dreg:$0x2] =	wrdreg s5  }
0xab: {  	[dreg:$0x3] =	wrdreg s6  }
0xac: {  	[dreg:$0x4] =	wrdreg $0xC0  }
0xad: {  	_ =	task [dreg:s9], $0x5FFFF  }
0xae: {  	[dreg:$0x1] =	wrdreg $0xFFFFFFFF  }
0xaf: {  	[dreg:$0x0] =	wrdreg $0x60  }
0xb0: {  	[dreg:$0x2] =	wrdreg s2  }
0xb1: {  	[dreg:$0x3] =	wrdreg s19  }
0xb2: {  	[dreg:$0x4] =	wrdreg s4  }
0xb3: {  	[dreg:$0x5] =	wrdreg $0x9  }
0xb4: {  	_ =	task.clear_ibuf [dreg:s9], $0x6FFFF;
	_ =	strace $0x90000046  }
0xb5: {  	s29 =	simm.s32 $0x9;
	_ =	strace $0x80000048  }
0xb6: {  	_ =	swait.ge [sflag:s29], $0x1  }
0xb7: {  	[sflag:s29] =	ssyncadd.s32 $0xFFFFFFFF  }
0xb8: {  	_ =	strace $0x90000048  }
0xb9: {  	_ =	sfence  }
0xba: {  	s30 =	sld [smem:$0x0];
	_ =	sdelay $0x2  }
0xbb: {  	s31 =	sshll.u32 s1, $0xD;
	s1 =	sshrl.u32 s1, $0x2  }
0xbc: {  	s3 =	sand.u32 $0x4000, s31;
	s1 =	sadd.s32 s1, s30  }
0xbd: {  	s0 =	sor.u32 s3, s0;
	s1 =	sshll.u32 s1, $0x11  }
0xbe: {  	s0 =	sor.u32 s1, s0  }
0xbf: {  	s0 =	sadd.s32 $0x8F2B, s0  }
0xc0: {  	[sflag:s0] =	ssyncadd.remote.s32 $0x1  }
0xc1: {  	_ =	sfence.sel $0xFFFF  }
0xc2: {  	[dreg:$0x0] =	wrdreg $0xFFFFFFFF;
	(pc) =	sbr.abs _section_cstart, $3  }
0xc3: {  	[dreg:$0x1] =	wrdreg $0xFFFFFFFF  }
0xc4: {  	_ =	task.clear_ibuf [dreg:s9], $0x2FFFF;
	_ =	strace $0x9FFFFFFF  }
0xc5: {  	(tm) =	ssettm $0x7FFFFFFF  }
tec
execute0_lowered:
.L_overlay_start_1:
0x0: {  	(tag) =	ssettag $0x1  }
0x1: {  	s1 =	rddreg [dreg:$0x0]  }
0x2: {  	s0 =	srdreg.scid;
	s2 =	rddreg [dreg:$0x1]  }
0x3: {  	s3 =	stileid.u32;
	s4 =	rddreg [dreg:$0x2];
	s0 =	sand.u32 $0x1, s0  }
0x4: {  	s5 =	sshll.u32 s3, $0xB;
	s3 =	simm.s32 $0x0;
	s6 =	sshll.u32 s0, $0xA  }
0x5: {  	s26 =	simm.s32 $0x40;
	[smem:$0x7FF] =	sst s3;
	s5 =	sor.u32 s6, s5  }
0x6: {  	_ =	strace $0x80000047;
	[dreg:$0x15] =	wrdreg s26;
	s6 =	sshrl.u32 s5, $0x3  }
0x7: {  	s7 =	sor.u32 $0x40, s5;
	s5 =	sshll.u32 s5, $0x5;
	s6 =	sadd.s32 s2, s6  }
0x8: {  	s8 =	sshrl.u32 s7, $0x3;
	s5 =	sadd.s32 s4, s5;
	[dreg:$0x4] =	wrdreg s6  }
0x9: {  	s9 =	sshll.u32 s7, $0x5;
	s2 =	sadd.s32 s2, s8;
	[dreg:$0x16] =	wrdreg s5  }
0xa: {  	s10 =	sadd.s32 s4, s9;
	[dreg:$0x5] =	wrdreg s2  }
0xb: {  	s11 =	sadd.s32 $0x1000, s5;
	[dreg:$0x6] =	wrdreg s10  }
0xc: {  	s12 =	sadd.s32 $0x1800, s5;
	[dreg:$0x7] =	wrdreg s11  }
0xd: {  	s13 =	sadd.s32 $0x2000, s5;
	[dreg:$0x8] =	wrdreg s12  }
0xe: {  	s14 =	sadd.s32 $0x2800, s5;
	[dreg:$0x9] =	wrdreg s13  }
0xf: {  	s15 =	sadd.s32 $0x3000, s5;
	[dreg:$0xa] =	wrdreg s14  }
0x10: {  	s16 =	sadd.s32 $0x3800, s5;
	[dreg:$0xb] =	wrdreg s15  }
0x11: {  	s28 =	simm.s32 $0x8;
	s17 =	sadd.s32 $0x4000, s5;
	[dreg:$0xc] =	wrdreg s16  }
0x12: {  	s30 =	simm.s32 $0x9;
	s18 =	sadd.s32 $0x4800, s5;
	[dreg:$0xd] =	wrdreg s17  }
0x13: {  	s29 =	simm.s32 $0x4400;
	s19 =	sadd.s32 $0x5000, s5;
	[dreg:$0xe] =	wrdreg s18  }
0x14: {  	s31 =	simm.s32 $0xCC00;
	s20 =	sadd.s32 $0x5800, s5;
	[dreg:$0xf] =	wrdreg s19  }
0x15: {  	s0 =	ssub.s32 $0x2, s0;
	s21 =	sadd.s32 $0x6000, s5;
	[dreg:$0x10] =	wrdreg s20  }
0x16: {  	s23 =	sshrl.u32 s0, $0x1;
	s22 =	sadd.s32 $0x6800, s5;
	[dreg:$0x11] =	wrdreg s21  }
0x17: {  	s26 =	simm.s32 $0x9400;
	s24 =	sadd.s32 $0x7000, s5;
	[dreg:$0x12] =	wrdreg s22  }
0x18: {  	s0 =	ssub.s32 s0, s23;
	s25 =	sadd.s32 $0x7800, s5;
	[dreg:$0x13] =	wrdreg s24  }
0x19: {  	v2 =	vlaneseq.u32;
	s7 =	simm.s32 $0x14400;
	s5 =	smax.u32 s0, $0x1;
	[dreg:$0x14] =	wrdreg s25  }
0x1a: {  	vm0 =	vmmov $0xffff;
	v1 =	vshrl.u32 v2, $0x3;
	s16 =	simm.s32 $0x1;
	s24 =	simm.s32 $0x2;
	s15 =	simm.s32 $0x400  }
0x1b: {  	v0 =	vand.u32 $0x7, v2;
	v2 =	vor.u32 $0x8, v2;
	v1 =	vmul.u32 $0x8, v1;
	s21 =	simm.s32 $0xB400;
	s22 =	simm.s32 $0xBC00;
	s25 =	simm.s32 $0xC400  }
.LBB2_1:
0x1c: {  	s17 =	rddreg [dreg:$0x4];
	s0 =	simm.s32 $0xF  }
0x1d: {  	[tilespmem:s3], [sflag:$0xF] =	stream.linear.gather [hbm4b:s17+s3], $0x40, $0x38;
	[tilespmem:$0x1C400] =	vst v63  }
0x1e: {  	_ =	swait.ge [sflag:s0], $0x40  }
0x1f: {  	[sflag:s0] =	ssyncset.done $0x0  }
0x20: {  	[sflag:s0] =	ssyncadd.s32 $0xFFFFFFC0  }
0x21: {  	v3 =	vld [tilespmem:$0x0];
	_ =	sdelay $0x4  }
0x22: {  	v4 =	vshll.u32 v3, $0x1  }
0x23: {  	v3 =	vand.u32 $0x7, v3;
	v4 =	vand.u32 $0xFFFFFFF0, v4  }
0x24: {  	v3 =	vor.u32 v3, v4  }
0x25: {  	v4 =	vperm.xlane v3, v0;
	_ =	sdelay $0x1  }
0x26: {  	v3 =	vperm.xlane v3, v2;
	v4 =	vadd.s32 v1, v4;
	_ =	sdelay $0x1  }
0x27: {  	v3 =	vadd.s32 v1, v3;
	_ =	sdelay $0x2  }
0x28: {  	[tilespmem:s15], [sflag:$0x1] =	stream.indirect_vreg.gather [hbm4b:s1+s3], $0x80, v4, vm0, $0xb8;
	[tilespmem:$0x1C400] =	vst v63  }
0x29: {  	s2 =	simm.s32 $0xC00  }
0x2a: {  	[tilespmem:s2], [sflag:$0x1] =	stream.indirect_vreg.gather [hbm4b:s1+s3], $0x80, v3, vm0, $0xb8;
	[tilespmem:$0x1C400] =	vst v63  }
0x2b: {  	v3 =	vld [tilespmem:$0x10];
	_ =	sdelay $0x4  }
0x2c: {  	v57 =	vshll.u32 v3, $0x1  }
0x2d: {  	v3 =	vand.u32 $0x7, v3;
	v4 =	vand.u32 $0xFFFFFFF0, v57  }
0x2e: {  	v3 =	vor.u32 v3, v4  }
0x2f: {  	v4 =	vperm.xlane v3, v0;
	_ =	sdelay $0x1  }
0x30: {  	v3 =	vperm.xlane v3, v2;
	v4 =	vadd.s32 v1, v4;
	_ =	sdelay $0x1  }
0x31: {  	v3 =	vadd.s32 v1, v3;
	_ =	sdelay $0x1  }
0x32: {  	s20 =	simm.s32 $0x1400  }
0x33: {  	[tilespmem:s20], [sflag:$0x1] =	stream.indirect_vreg.gather [hbm4b:s1+s3], $0x80, v4, vm0, $0xb8;
	[tilespmem:$0x1C400] =	vst v63  }
0x34: {  	s23 =	simm.s32 $0x1C00  }
0x35: {  	[tilespmem:s23], [sflag:$0x1] =	stream.indirect_vreg.gather [hbm4b:s1+s3], $0x80, v3, vm0, $0xb8;
	[tilespmem:$0x1C400] =	vst v63  }
0x36: {  	v3 =	vld [tilespmem:$0x20];
	_ =	sdelay $0x4  }
0x37: {  	v58 =	vshll.u32 v3, $0x1  }
0x38: {  	v3 =	vand.u32 $0x7, v3;
	v4 =	vand.u32 $0xFFFFFFF0, v58  }
0x39: {  	v3 =	vor.u32 v3, v4  }
0x3a: {  	v4 =	vperm.xlane v3, v0;
	_ =	sdelay $0x1  }
0x3b: {  	v3 =	vperm.xlane v3, v2;
	v4 =	vadd.s32 v1, v4;
	_ =	sdelay $0x1  }
0x3c: {  	v3 =	vadd.s32 v1, v3;
	_ =	sdelay $0x1  }
0x3d: {  	s6 =	simm.s32 $0x2400  }
0x3e: {  	[tilespmem:s6], [sflag:$0x1] =	stream.indirect_vreg.gather [hbm4b:s1+s3], $0x80, v4, vm0, $0xb8;
	[tilespmem:$0x1C400] =	vst v63  }
0x3f: {  	s8 =	simm.s32 $0x2C00  }
0x40: {  	[tilespmem:s8], [sflag:$0x1] =	stream.indirect_vreg.gather [hbm4b:s1+s3], $0x80, v3, vm0, $0xb8;
	[tilespmem:$0x1C400] =	vst v63  }
0x41: {  	v3 =	vld [tilespmem:$0x30];
	_ =	sdelay $0x4  }
0x42: {  	v59 =	vshll.u32 v3, $0x1  }
0x43: {  	v3 =	vand.u32 $0x7, v3;
	v4 =	vand.u32 $0xFFFFFFF0, v59  }
0x44: {  	v3 =	vor.u32 v3, v4  }
0x45: {  	v4 =	vperm.xlane v3, v0;
	_ =	sdelay $0x1  }
0x46: {  	v3 =	vperm.xlane v3, v2;
	v4 =	vadd.s32 v1, v4;
	_ =	sdelay $0x1  }
0x47: {  	v3 =	vadd.s32 v1, v3;
	_ =	sdelay $0x1  }
0x48: {  	s9 =	simm.s32 $0x3400  }
0x49: {  	[tilespmem:s9], [sflag:$0x1] =	stream.indirect_vreg.gather [hbm4b:s1+s3], $0x80, v4, vm0, $0xb8;
	[tilespmem:$0x1C400] =	vst v63  }
0x4a: {  	s10 =	rddreg [dreg:$0x5];
	s6 =	simm.s32 $0x3C00  }
0x4b: {  	[tilespmem:s6], [sflag:$0x1] =	stream.indirect_vreg.gather [hbm4b:s1+s3], $0x80, v3, vm0, $0xb8;
	[tilespmem:$0x1C400] =	vst v63  }
0x4c: {  	s18 =	rddreg [dreg:$0x15]  }
0x4d: {  	[tilespmem:s18], [sflag:$0xF] =	stream.linear.gather [hbm4b:s10+s3], $0x3C0, $0x38;
	[tilespmem:$0x1C400] =	vst v63  }
0x4e: {  	_ =	swait.ge [sflag:s0], $0x3C0  }
0x4f: {  	[sflag:s0] =	ssyncset.done $0x0  }
0x50: {  	[sflag:s0] =	ssyncadd.s32 $0xFFFFFC40  }
0x51: {  	v3 =	vld [tilespmem:$0x40];
	_ =	sdelay $0x4  }
0x52: {  	v60 =	vshll.u32 v3, $0x1  }
0x53: {  	v3 =	vand.u32 $0x7, v3;
	v4 =	vand.u32 $0xFFFFFFF0, v60  }
0x54: {  	v3 =	vor.u32 v3, v4  }
0x55: {  	v4 =	vperm.xlane v3, v0;
	_ =	sdelay $0x1  }
0x56: {  	v3 =	vperm.xlane v3, v2;
	v4 =	vadd.s32 v1, v4;
	_ =	sdelay $0x1  }
0x57: {  	v3 =	vadd.s32 v1, v3;
	_ =	sdelay $0x2  }
0x58: {  	[tilespmem:s29], [sflag:$0x2] =	stream.indirect_vreg.gather [hbm4b:s1+s3], $0x80, v4, vm0, $0xb8;
	[tilespmem:$0x1C400] =	vst v63  }
0x59: {  	s11 =	simm.s32 $0x4C00  }
0x5a: {  	[tilespmem:s11], [sflag:$0x2] =	stream.indirect_vreg.gather [hbm4b:s1+s3], $0x80, v3, vm0, $0xb8;
	[tilespmem:$0x1C400] =	vst v63  }
0x5b: {  	v3 =	vld [tilespmem:$0x50];
	_ =	sdelay $0x4  }
0x5c: {  	v61 =	vshll.u32 v3, $0x1  }
0x5d: {  	v3 =	vand.u32 $0x7, v3;
	v4 =	vand.u32 $0xFFFFFFF0, v61  }
0x5e: {  	v3 =	vor.u32 v3, v4  }
0x5f: {  	v4 =	vperm.xlane v3, v0;
	_ =	sdelay $0x1  }
0x60: {  	v3 =	vperm.xlane v3, v2;
	v4 =	vadd.s32 v1, v4;
	_ =	sdelay $0x1  }
0x61: {  	v3 =	vadd.s32 v1, v3;
	_ =	sdelay $0x1  }
0x62: {  	s12 =	simm.s32 $0x5400  }
0x63: {  	[tilespmem:s12], [sflag:$0x2] =	stream.indirect_vreg.gather [hbm4b:s1+s3], $0x80, v4, vm0, $0xb8;
	[tilespmem:$0x1C400] =	vst v63  }
0x64: {  	s13 =	simm.s32 $0x5C00  }
0x65: {  	[tilespmem:s13], [sflag:$0x2] =	stream.indirect_vreg.gather [hbm4b:s1+s3], $0x80, v3, vm0, $0xb8;
	[tilespmem:$0x1C400] =	vst v63  }
0x66: {  	v3 =	vld [tilespmem:$0x60];
	_ =	sdelay $0x4  }
0x67: {  	v62 =	vshll.u32 v3, $0x1  }
0x68: {  	v3 =	vand.u32 $0x7, v3;
	v4 =	vand.u32 $0xFFFFFFF0, v62  }
0x69: {  	v3 =	vor.u32 v3, v4  }
0x6a: {  	v4 =	vperm.xlane v3, v0;
	_ =	sdelay $0x1  }
0x6b: {  	v3 =	vperm.xlane v3, v2;
	v4 =	vadd.s32 v1, v4;
	_ =	sdelay $0x1  }
0x6c: {  	v3 =	vadd.s32 v1, v3;
	_ =	sdelay $0x1  }
0x6d: {  	s14 =	simm.s32 $0x6400  }
0x6e: {  	[tilespmem:s14], [sflag:$0x2] =	stream.indirect_vreg.gather [hbm4b:s1+s3], $0x80, v4, vm0, $0xb8;
	[tilespmem:$0x1C400] =	vst v63  }
0x6f: {  	s17 =	simm.s32 $0x6C00  }
0x70: {  	[tilespmem:s17], [sflag:$0x2] =	stream.indirect_vreg.gather [hbm4b:s1+s3], $0x80, v3, vm0, $0xb8;
	[tilespmem:$0x1C400] =	vst v63  }
0x71: {  	v3 =	vld [tilespmem:$0x70];
	_ =	sdelay $0x4  }
0x72: {  	v63 =	vshll.u32 v3, $0x1  }
0x73: {  	v3 =	vand.u32 $0x7, v3;
	v4 =	vand.u32 $0xFFFFFFF0, v63  }
0x74: {  	v3 =	vor.u32 v3, v4  }
0x75: {  	v4 =	vperm.xlane v3, v0;
	_ =	sdelay $0x1  }
0x76: {  	v3 =	vperm.xlane v3, v2;
	v4 =	vadd.s32 v1, v4;
	_ =	sdelay $0x1  }
0x77: {  	v3 =	vadd.s32 v1, v3;
	_ =	sdelay $0x1  }
0x78: {  	s18 =	simm.s32 $0x7400  }
0x79: {  	[tilespmem:s18], [sflag:$0x2] =	stream.indirect_vreg.gather [hbm4b:s1+s3], $0x80, v4, vm0, $0xb8;
	[tilespmem:$0x1C400] =	vst v63  }
0x7a: {  	s19 =	simm.s32 $0x7C00  }
0x7b: {  	[tilespmem:s19], [sflag:$0x2] =	stream.indirect_vreg.gather [hbm4b:s1+s3], $0x80, v3, vm0, $0xb8;
	[tilespmem:$0x1C400] =	vst v63  }
0x7c: {  	v3 =	vld [tilespmem:$0x80];
	_ =	sdelay $0x4  }
0x7d: {  	v8 =	vshll.u32 v3, $0x1  }
0x7e: {  	v3 =	vand.u32 $0x7, v3;
	v4 =	vand.u32 $0xFFFFFFF0, v8  }
0x7f: {  	v3 =	vor.u32 v3, v4  }
0x80: {  	v4 =	vperm.xlane v3, v0;
	_ =	sdelay $0x1  }
0x81: {  	v3 =	vperm.xlane v3, v2;
	v4 =	vadd.s32 v1, v4;
	_ =	sdelay $0x1  }
0x82: {  	v3 =	vadd.s32 v1, v3;
	_ =	sdelay $0x1  }
0x83: {  	s20 =	simm.s32 $0x8400  }
0x84: {  	[tilespmem:s20], [sflag:$0x3] =	stream.indirect_vreg.gather [hbm4b:s1+s3], $0x80, v4, vm0, $0xb8;
	[tilespmem:$0x1C400] =	vst v63  }
0x85: {  	s8 =	simm.s32 $0x8C00  }
0x86: {  	[tilespmem:s8], [sflag:$0x3] =	stream.indirect_vreg.gather [hbm4b:s1+s3], $0x80, v3, vm0, $0xb8;
	[tilespmem:$0x1C400] =	vst v63  }
0x87: {  	v3 =	vld [tilespmem:$0x90];
	_ =	sdelay $0x4  }
0x88: {  	v9 =	vshll.u32 v3, $0x1  }
0x89: {  	v3 =	vand.u32 $0x7, v3;
	v4 =	vand.u32 $0xFFFFFFF0, v9  }
0x8a: {  	v3 =	vor.u32 v3, v4  }
0x8b: {  	v4 =	vperm.xlane v3, v0;
	_ =	sdelay $0x1  }
0x8c: {  	v3 =	vperm.xlane v3, v2;
	v4 =	vadd.s32 v1, v4;
	_ =	sdelay $0x1  }
0x8d: {  	v3 =	vadd.s32 v1, v3;
	_ =	sdelay $0x2  }
0x8e: {  	[tilespmem:s26], [sflag:$0x3] =	stream.indirect_vreg.gather [hbm4b:s1+s3], $0x80, v4, vm0, $0xb8;
	[tilespmem:$0x1C400] =	vst v63  }
0x8f: {  	s9 =	simm.s32 $0x9C00  }
0x90: {  	[tilespmem:s9], [sflag:$0x3] =	stream.indirect_vreg.gather [hbm4b:s1+s3], $0x80, v3, vm0, $0xb8;
	[tilespmem:$0x1C400] =	vst v63  }
0x91: {  	v3 =	vld [tilespmem:$0xA0];
	_ =	sdelay $0x4  }
0x92: {  	v10 =	vshll.u32 v3, $0x1  }
0x93: {  	v3 =	vand.u32 $0x7, v3;
	v4 =	vand.u32 $0xFFFFFFF0, v10  }
0x94: {  	v3 =	vor.u32 v3, v4  }
0x95: {  	v4 =	vperm.xlane v3, v0;
	_ =	sdelay $0x1  }
0x96: {  	v3 =	vperm.xlane v3, v2;
	v4 =	vadd.s32 v1, v4;
	_ =	sdelay $0x1  }
0x97: {  	v3 =	vadd.s32 v1, v3;
	_ =	sdelay $0x1  }
0x98: {  	s19 =	simm.s32 $0xA400  }
0x99: {  	[tilespmem:s19], [sflag:$0x3] =	stream.indirect_vreg.gather [hbm4b:s1+s3], $0x80, v4, vm0, $0xb8;
	[tilespmem:$0x1C400] =	vst v63  }
0x9a: {  	s20 =	simm.s32 $0xAC00  }
0x9b: {  	[tilespmem:s20], [sflag:$0x3] =	stream.indirect_vreg.gather [hbm4b:s1+s3], $0x80, v3, vm0, $0xb8;
	[tilespmem:$0x1C400] =	vst v63  }
0x9c: {  	v3 =	vld [tilespmem:$0xB0];
	_ =	sdelay $0x4  }
0x9d: {  	v11 =	vshll.u32 v3, $0x1  }
0x9e: {  	v3 =	vand.u32 $0x7, v3;
	v4 =	vand.u32 $0xFFFFFFF0, v11  }
0x9f: {  	v3 =	vor.u32 v3, v4  }
0xa0: {  	v4 =	vperm.xlane v3, v0;
	_ =	sdelay $0x1  }
0xa1: {  	v3 =	vperm.xlane v3, v2;
	v4 =	vadd.s32 v1, v4;
	_ =	sdelay $0x1  }
0xa2: {  	v3 =	vadd.s32 v1, v3;
	_ =	sdelay $0x2  }
0xa3: {  	[tilespmem:s21], [sflag:$0x3] =	stream.indirect_vreg.gather [hbm4b:s1+s3], $0x80, v4, vm0, $0xb8;
	[tilespmem:$0x1C400] =	vst v63  }
0xa4: {  	_ = 	snop  }
0xa5: {  	[tilespmem:s22], [sflag:$0x3] =	stream.indirect_vreg.gather [hbm4b:s1+s3], $0x80, v3, vm0, $0xb8;
	[tilespmem:$0x1C400] =	vst v63  }
0xa6: {  	v3 =	vld [tilespmem:$0xC0];
	_ =	sdelay $0x4  }
0xa7: {  	v12 =	vshll.u32 v3, $0x1  }
0xa8: {  	v3 =	vand.u32 $0x7, v3;
	v4 =	vand.u32 $0xFFFFFFF0, v12  }
0xa9: {  	v3 =	vor.u32 v3, v4  }
0xaa: {  	v4 =	vperm.xlane v3, v0;
	_ =	sdelay $0x1  }
0xab: {  	v3 =	vperm.xlane v3, v2;
	v4 =	vadd.s32 v1, v4;
	_ =	sdelay $0x1  }
0xac: {  	v3 =	vadd.s32 v1, v3;
	_ =	sdelay $0x1  }
0xad: {  	s23 =	simm.s32 $0xC400  }
0xae: {  	[tilespmem:s23], [sflag:$0x4] =	stream.indirect_vreg.gather [hbm4b:s1+s3], $0x80, v4, vm0, $0xb8;
	[tilespmem:$0x1C400] =	vst v63  }
0xaf: {  	_ = 	snop  }
0xb0: {  	[tilespmem:s31], [sflag:$0x4] =	stream.indirect_vreg.gather [hbm4b:s1+s3], $0x80, v3, vm0, $0xb8;
	[tilespmem:$0x1C400] =	vst v63  }
0xb1: {  	v3 =	vld [tilespmem:$0xD0];
	_ =	sdelay $0x4  }
0xb2: {  	v13 =	vshll.u32 v3, $0x1  }
0xb3: {  	v3 =	vand.u32 $0x7, v3;
	v4 =	vand.u32 $0xFFFFFFF0, v13  }
0xb4: {  	v3 =	vor.u32 v3, v4  }
0xb5: {  	v4 =	vperm.xlane v3, v0;
	_ =	sdelay $0x1  }
0xb6: {  	v3 =	vperm.xlane v3, v2;
	v4 =	vadd.s32 v1, v4;
	_ =	sdelay $0x1  }
0xb7: {  	v3 =	vadd.s32 v1, v3;
	_ =	sdelay $0x1  }
0xb8: {  	s13 =	simm.s32 $0xD400  }
0xb9: {  	[tilespmem:s13], [sflag:$0x4] =	stream.indirect_vreg.gather [hbm4b:s1+s3], $0x80, v4, vm0, $0xb8;
	[tilespmem:$0x1C400] =	vst v63  }
0xba: {  	s12 =	simm.s32 $0xDC00  }
0xbb: {  	[tilespmem:s12], [sflag:$0x4] =	stream.indirect_vreg.gather [hbm4b:s1+s3], $0x80, v3, vm0, $0xb8;
	[tilespmem:$0x1C400] =	vst v63  }
0xbc: {  	v3 =	vld [tilespmem:$0xE0];
	_ =	sdelay $0x4  }
0xbd: {  	v14 =	vshll.u32 v3, $0x1  }
0xbe: {  	v3 =	vand.u32 $0x7, v3;
	v4 =	vand.u32 $0xFFFFFFF0, v14  }
0xbf: {  	v3 =	vor.u32 v3, v4  }
0xc0: {  	v4 =	vperm.xlane v3, v0;
	_ =	sdelay $0x1  }
0xc1: {  	v3 =	vperm.xlane v3, v2;
	v4 =	vadd.s32 v1, v4;
	_ =	sdelay $0x1  }
0xc2: {  	v3 =	vadd.s32 v1, v3;
	_ =	sdelay $0x1  }
0xc3: {  	s14 =	simm.s32 $0xE400  }
0xc4: {  	[tilespmem:s14], [sflag:$0x4] =	stream.indirect_vreg.gather [hbm4b:s1+s3], $0x80, v4, vm0, $0xb8;
	[tilespmem:$0x1C400] =	vst v63  }
0xc5: {  	s18 =	simm.s32 $0xEC00  }
0xc6: {  	[tilespmem:s18], [sflag:$0x4] =	stream.indirect_vreg.gather [hbm4b:s1+s3], $0x80, v3, vm0, $0xb8;
	[tilespmem:$0x1C400] =	vst v63  }
0xc7: {  	v3 =	vld [tilespmem:$0xF0];
	_ =	sdelay $0x4  }
0xc8: {  	v15 =	vshll.u32 v3, $0x1  }
0xc9: {  	v3 =	vand.u32 $0x7, v3;
	v4 =	vand.u32 $0xFFFFFFF0, v15  }
0xca: {  	v3 =	vor.u32 v3, v4  }
0xcb: {  	v4 =	vperm.xlane v3, v0;
	_ =	sdelay $0x1  }
0xcc: {  	v3 =	vperm.xlane v3, v2;
	v4 =	vadd.s32 v1, v4;
	_ =	sdelay $0x1  }
0xcd: {  	v3 =	vadd.s32 v1, v3;
	_ =	sdelay $0x1  }
0xce: {  	s10 =	simm.s32 $0xF400  }
0xcf: {  	[tilespmem:s10], [sflag:$0x4] =	stream.indirect_vreg.gather [hbm4b:s1+s3], $0x80, v4, vm0, $0xb8;
	[tilespmem:$0x1C400] =	vst v63  }
0xd0: {  	s11 =	simm.s32 $0xFC00  }
0xd1: {  	[tilespmem:s11], [sflag:$0x4] =	stream.indirect_vreg.gather [hbm4b:s1+s3], $0x80, v3, vm0, $0xb8;
	[tilespmem:$0x1C400] =	vst v63  }
0xd2: {  	v3 =	vld [tilespmem:$0x100];
	_ =	sdelay $0x4  }
0xd3: {  	v16 =	vshll.u32 v3, $0x1  }
0xd4: {  	v3 =	vand.u32 $0x7, v3;
	v4 =	vand.u32 $0xFFFFFFF0, v16  }
0xd5: {  	v3 =	vor.u32 v3, v4  }
0xd6: {  	v4 =	vperm.xlane v3, v0;
	_ =	sdelay $0x1  }
0xd7: {  	v3 =	vperm.xlane v3, v2;
	v4 =	vadd.s32 v1, v4;
	_ =	sdelay $0x1  }
0xd8: {  	v3 =	vadd.s32 v1, v3;
	_ =	sdelay $0x1  }
0xd9: {  	s6 =	simm.s32 $0x10400  }
0xda: {  	[tilespmem:s6], [sflag:$0x5] =	stream.indirect_vreg.gather [hbm4b:s1+s3], $0x80, v4, vm0, $0xb8;
	[tilespmem:$0x1C400] =	vst v63  }
0xdb: {  	s17 =	simm.s32 $0x10C00  }
0xdc: {  	[tilespmem:s17], [sflag:$0x5] =	stream.indirect_vreg.gather [hbm4b:s1+s3], $0x80, v3, vm0, $0xb8;
	[tilespmem:$0x1C400] =	vst v63  }
0xdd: {  	v3 =	vld [tilespmem:$0x110];
	_ =	sdelay $0x4  }
0xde: {  	v17 =	vshll.u32 v3, $0x1  }
0xdf: {  	v3 =	vand.u32 $0x7, v3;
	v4 =	vand.u32 $0xFFFFFFF0, v17  }
0xe0: {  	v3 =	vor.u32 v3, v4  }
0xe1: {  	v4 =	vperm.xlane v3, v0;
	_ =	sdelay $0x1  }
0xe2: {  	v3 =	vperm.xlane v3, v2;
	v4 =	vadd.s32 v1, v4;
	_ =	sdelay $0x1  }
0xe3: {  	v3 =	vadd.s32 v1, v3;
	_ =	sdelay $0x1  }
0xe4: {  	s23 =	simm.s32 $0x11400  }
0xe5: {  	[tilespmem:s23], [sflag:$0x5] =	stream.indirect_vreg.gather [hbm4b:s1+s3], $0x80, v4, vm0, $0xb8;
	[tilespmem:$0x1C400] =	vst v63  }
0xe6: {  	s6 =	simm.s32 $0x11C00  }
0xe7: {  	[tilespmem:s6], [sflag:$0x5] =	stream.indirect_vreg.gather [hbm4b:s1+s3], $0x80, v3, vm0, $0xb8;
	[tilespmem:$0x1C400] =	vst v63  }
0xe8: {  	v3 =	vld [tilespmem:$0x120];
	_ =	sdelay $0x4  }
0xe9: {  	v18 =	vshll.u32 v3, $0x1  }
0xea: {  	v3 =	vand.u32 $0x7, v3;
	v4 =	vand.u32 $0xFFFFFFF0, v18  }
0xeb: {  	v3 =	vor.u32 v3, v4  }
0xec: {  	v4 =	vperm.xlane v3, v0;
	_ =	sdelay $0x1  }
0xed: {  	v3 =	vperm.xlane v3, v2;
	v4 =	vadd.s32 v1, v4;
	_ =	sdelay $0x1  }
0xee: {  	v3 =	vadd.s32 v1, v3;
	_ =	sdelay $0x1  }
0xef: {  	s17 =	simm.s32 $0x12400  }
0xf0: {  	[tilespmem:s17], [sflag:$0x5] =	stream.indirect_vreg.gather [hbm4b:s1+s3], $0x80, v4, vm0, $0xb8;
	[tilespmem:$0x1C400] =	vst v63  }
0xf1: {  	s23 =	simm.s32 $0x12C00  }
0xf2: {  	[tilespmem:s23], [sflag:$0x5] =	stream.indirect_vreg.gather [hbm4b:s1+s3], $0x80, v3, vm0, $0xb8;
	[tilespmem:$0x1C400] =	vst v63  }
0xf3: {  	v3 =	vld [tilespmem:$0x130];
	_ =	sdelay $0x4  }
0xf4: {  	v19 =	vshll.u32 v3, $0x1  }
0xf5: {  	v3 =	vand.u32 $0x7, v3;
	v4 =	vand.u32 $0xFFFFFFF0, v19  }
0xf6: {  	v3 =	vor.u32 v3, v4  }
0xf7: {  	v4 =	vperm.xlane v3, v0;
	_ =	sdelay $0x1  }
0xf8: {  	v3 =	vperm.xlane v3, v2;
	v4 =	vadd.s32 v1, v4;
	_ =	sdelay $0x1  }
0xf9: {  	v3 =	vadd.s32 v1, v3;
	_ =	sdelay $0x1  }
0xfa: {  	s6 =	simm.s32 $0x13400  }
0xfb: {  	[tilespmem:s6], [sflag:$0x5] =	stream.indirect_vreg.gather [hbm4b:s1+s3], $0x80, v4, vm0, $0xb8;
	[tilespmem:$0x1C400] =	vst v63  }
0xfc: {  	s17 =	simm.s32 $0x13C00  }
0xfd: {  	[tilespmem:s17], [sflag:$0x5] =	stream.indirect_vreg.gather [hbm4b:s1+s3], $0x80, v3, vm0, $0xb8;
	[tilespmem:$0x1C400] =	vst v63  }
0xfe: {  	v3 =	vld [tilespmem:$0x140];
	_ =	sdelay $0x4  }
0xff: {  	v20 =	vshll.u32 v3, $0x1  }
0x100: {  	v3 =	vand.u32 $0x7, v3;
	v4 =	vand.u32 $0xFFFFFFF0, v20  }
0x101: {  	v3 =	vor.u32 v3, v4  }
0x102: {  	v4 =	vperm.xlane v3, v0;
	_ =	sdelay $0x1  }
0x103: {  	v3 =	vperm.xlane v3, v2;
	v4 =	vadd.s32 v1, v4;
	_ =	sdelay $0x1  }
0x104: {  	v3 =	vadd.s32 v1, v3;
	_ =	sdelay $0x2  }
0x105: {  	[tilespmem:s7], [sflag:$0x6] =	stream.indirect_vreg.gather [hbm4b:s1+s3], $0x80, v4, vm0, $0xb8;
	[tilespmem:$0x1C400] =	vst v63  }
0x106: {  	s23 =	simm.s32 $0x14C00  }
0x107: {  	[tilespmem:s23], [sflag:$0x6] =	stream.indirect_vreg.gather [hbm4b:s1+s3], $0x80, v3, vm0, $0xb8;
	[tilespmem:$0x1C400] =	vst v63  }
0x108: {  	v3 =	vld [tilespmem:$0x150];
	_ =	sdelay $0x4  }
0x109: {  	v21 =	vshll.u32 v3, $0x1  }
0x10a: {  	v3 =	vand.u32 $0x7, v3;
	v4 =	vand.u32 $0xFFFFFFF0, v21  }
0x10b: {  	v3 =	vor.u32 v3, v4  }
0x10c: {  	v4 =	vperm.xlane v3, v0;
	_ =	sdelay $0x1  }
0x10d: {  	v3 =	vperm.xlane v3, v2;
	v4 =	vadd.s32 v1, v4;
	_ =	sdelay $0x1  }
0x10e: {  	v3 =	vadd.s32 v1, v3;
	_ =	sdelay $0x1  }
0x10f: {  	s6 =	simm.s32 $0x15400  }
0x110: {  	[tilespmem:s6], [sflag:$0x6] =	stream.indirect_vreg.gather [hbm4b:s1+s3], $0x80, v4, vm0, $0xb8;
	[tilespmem:$0x1C400] =	vst v63  }
0x111: {  	s17 =	simm.s32 $0x15C00  }
0x112: {  	[tilespmem:s17], [sflag:$0x6] =	stream.indirect_vreg.gather [hbm4b:s1+s3], $0x80, v3, vm0, $0xb8;
	[tilespmem:$0x1C400] =	vst v63  }
0x113: {  	v3 =	vld [tilespmem:$0x160];
	_ =	sdelay $0x4  }
0x114: {  	v22 =	vshll.u32 v3, $0x1  }
0x115: {  	v3 =	vand.u32 $0x7, v3;
	v4 =	vand.u32 $0xFFFFFFF0, v22  }
0x116: {  	v3 =	vor.u32 v3, v4  }
0x117: {  	v4 =	vperm.xlane v3, v0;
	_ =	sdelay $0x1  }
0x118: {  	v3 =	vperm.xlane v3, v2;
	v4 =	vadd.s32 v1, v4;
	_ =	sdelay $0x1  }
0x119: {  	v3 =	vadd.s32 v1, v3;
	_ =	sdelay $0x1  }
0x11a: {  	s23 =	simm.s32 $0x16400  }
0x11b: {  	[tilespmem:s23], [sflag:$0x6] =	stream.indirect_vreg.gather [hbm4b:s1+s3], $0x80, v4, vm0, $0xb8;
	[tilespmem:$0x1C400] =	vst v63  }
0x11c: {  	s6 =	simm.s32 $0x16C00  }
0x11d: {  	[tilespmem:s6], [sflag:$0x6] =	stream.indirect_vreg.gather [hbm4b:s1+s3], $0x80, v3, vm0, $0xb8;
	[tilespmem:$0x1C400] =	vst v63  }
0x11e: {  	v3 =	vld [tilespmem:$0x170];
	_ =	sdelay $0x4  }
0x11f: {  	v23 =	vshll.u32 v3, $0x1  }
0x120: {  	v3 =	vand.u32 $0x7, v3;
	v4 =	vand.u32 $0xFFFFFFF0, v23  }
0x121: {  	v3 =	vor.u32 v3, v4  }
0x122: {  	v4 =	vperm.xlane v3, v0;
	_ =	sdelay $0x1  }
0x123: {  	v3 =	vperm.xlane v3, v2;
	v4 =	vadd.s32 v1, v4;
	_ =	sdelay $0x1  }
0x124: {  	v3 =	vadd.s32 v1, v3;
	_ =	sdelay $0x1  }
0x125: {  	s17 =	simm.s32 $0x17400  }
0x126: {  	[tilespmem:s17], [sflag:$0x6] =	stream.indirect_vreg.gather [hbm4b:s1+s3], $0x80, v4, vm0, $0xb8;
	[tilespmem:$0x1C400] =	vst v63  }
0x127: {  	s23 =	simm.s32 $0x17C00  }
0x128: {  	[tilespmem:s23], [sflag:$0x6] =	stream.indirect_vreg.gather [hbm4b:s1+s3], $0x80, v3, vm0, $0xb8;
	[tilespmem:$0x1C400] =	vst v63  }
0x129: {  	_ =	swait.ge [sflag:s16], $0x4000  }
0x12a: {  	[sflag:s16] =	ssyncset.done $0x0  }
0x12b: {  	s6 =	rddreg [dreg:$0x16];
	[sflag:s16] =	ssyncadd.s32 $0xFFFFC000  }
0x12c: {  	[hbm4b:s6+s3] =	stream.linear.scatter [tilespmem:s15], [sflag:$0x8], $0x4000, $0x38;
	[tilespmem:$0x1C400] =	vst v63  }
0x12d: {  	v3 =	vld [tilespmem:$0x180];
	_ =	sdelay $0x4  }
0x12e: {  	v24 =	vshll.u32 v3, $0x1  }
0x12f: {  	v3 =	vand.u32 $0x7, v3;
	v4 =	vand.u32 $0xFFFFFFF0, v24  }
0x130: {  	v3 =	vor.u32 v3, v4  }
0x131: {  	v4 =	vperm.xlane v3, v0;
	_ =	sdelay $0x1  }
0x132: {  	v3 =	vperm.xlane v3, v2;
	v4 =	vadd.s32 v1, v4;
	_ =	sdelay $0x1  }
0x133: {  	v3 =	vadd.s32 v1, v3;
	_ =	sdelay $0x1  }
0x134: {  	s6 =	simm.s32 $0x18400  }
0x135: {  	[tilespmem:s6], [sflag:$0x7] =	stream.indirect_vreg.gather [hbm4b:s1+s3], $0x80, v4, vm0, $0xb8;
	[tilespmem:$0x1C400] =	vst v63  }
0x136: {  	s23 =	simm.s32 $0x18C00  }
0x137: {  	[tilespmem:s23], [sflag:$0x7] =	stream.indirect_vreg.gather [hbm4b:s1+s3], $0x80, v3, vm0, $0xb8;
	[tilespmem:$0x1C400] =	vst v63  }
0x138: {  	v3 =	vld [tilespmem:$0x190];
	_ =	sdelay $0x4  }
0x139: {  	v25 =	vshll.u32 v3, $0x1  }
0x13a: {  	v3 =	vand.u32 $0x7, v3;
	v4 =	vand.u32 $0xFFFFFFF0, v25  }
0x13b: {  	v3 =	vor.u32 v3, v4  }
0x13c: {  	v4 =	vperm.xlane v3, v0;
	_ =	sdelay $0x1  }
0x13d: {  	v3 =	vperm.xlane v3, v2;
	v4 =	vadd.s32 v1, v4;
	_ =	sdelay $0x1  }
0x13e: {  	v3 =	vadd.s32 v1, v3;
	_ =	sdelay $0x1  }
0x13f: {  	s17 =	simm.s32 $0x19400  }
0x140: {  	[tilespmem:s17], [sflag:$0x7] =	stream.indirect_vreg.gather [hbm4b:s1+s3], $0x80, v4, vm0, $0xb8;
	[tilespmem:$0x1C400] =	vst v63  }
0x141: {  	s23 =	simm.s32 $0x19C00  }
0x142: {  	[tilespmem:s23], [sflag:$0x7] =	stream.indirect_vreg.gather [hbm4b:s1+s3], $0x80, v3, vm0, $0xb8;
	[tilespmem:$0x1C400] =	vst v63  }
0x143: {  	v3 =	vld [tilespmem:$0x1A0];
	_ =	sdelay $0x4  }
0x144: {  	v26 =	vshll.u32 v3, $0x1  }
0x145: {  	v3 =	vand.u32 $0x7, v3;
	v4 =	vand.u32 $0xFFFFFFF0, v26  }
0x146: {  	v3 =	vor.u32 v3, v4  }
0x147: {  	v4 =	vperm.xlane v3, v0;
	_ =	sdelay $0x1  }
0x148: {  	v3 =	vperm.xlane v3, v2;
	v4 =	vadd.s32 v1, v4;
	_ =	sdelay $0x1  }
0x149: {  	v3 =	vadd.s32 v1, v3;
	_ =	sdelay $0x1  }
0x14a: {  	s17 =	simm.s32 $0x1A400  }
0x14b: {  	[tilespmem:s17], [sflag:$0x7] =	stream.indirect_vreg.gather [hbm4b:s1+s3], $0x80, v4, vm0, $0xb8;
	[tilespmem:$0x1C400] =	vst v63  }
0x14c: {  	s23 =	simm.s32 $0x1AC00  }
0x14d: {  	[tilespmem:s23], [sflag:$0x7] =	stream.indirect_vreg.gather [hbm4b:s1+s3], $0x80, v3, vm0, $0xb8;
	[tilespmem:$0x1C400] =	vst v63  }
0x14e: {  	v3 =	vld [tilespmem:$0x1B0];
	_ =	sdelay $0x4  }
0x14f: {  	v27 =	vshll.u32 v3, $0x1  }
0x150: {  	v3 =	vand.u32 $0x7, v3;
	v4 =	vand.u32 $0xFFFFFFF0, v27  }
0x151: {  	v3 =	vor.u32 v3, v4  }
0x152: {  	v4 =	vperm.xlane v3, v0;
	_ =	sdelay $0x1  }
0x153: {  	v3 =	vperm.xlane v3, v2;
	v4 =	vadd.s32 v1, v4;
	_ =	sdelay $0x1  }
0x154: {  	v3 =	vadd.s32 v1, v3;
	_ =	sdelay $0x1  }
0x155: {  	s17 =	simm.s32 $0x1B400  }
0x156: {  	[tilespmem:s17], [sflag:$0x7] =	stream.indirect_vreg.gather [hbm4b:s1+s3], $0x80, v4, vm0, $0xb8;
	[tilespmem:$0x1C400] =	vst v63  }
0x157: {  	s23 =	simm.s32 $0x1BC00  }
0x158: {  	[tilespmem:s23], [sflag:$0x7] =	stream.indirect_vreg.gather [hbm4b:s1+s3], $0x80, v3, vm0, $0xb8;
	[tilespmem:$0x1C400] =	vst v63  }
0x159: {  	_ =	swait.ge [sflag:s24], $0x4000  }
0x15a: {  	[sflag:s24] =	ssyncset.done $0x0  }
0x15b: {  	s0 =	rddreg [dreg:$0x6];
	[sflag:s24] =	ssyncadd.s32 $0xFFFFC000  }
0x15c: {  	[hbm4b:s0+s3] =	stream.linear.scatter [tilespmem:s29], [sflag:$0x9], $0x4000, $0x38;
	[tilespmem:$0x1C400] =	vst v63  }
0x15d: {  	_ =	swait.ge [sflag:s28], $0x4000  }
0x15e: {  	[sflag:s28] =	ssyncset.done $0x0  }
0x15f: {  	[sflag:s28] =	ssyncadd.s32 $0xFFFFC000  }
0x160: {  	v3 =	vld [tilespmem:$0x1C0];
	_ =	sdelay $0x4  }
0x161: {  	v28 =	vshll.u32 v3, $0x1  }
0x162: {  	v3 =	vand.u32 $0x7, v3;
	v4 =	vand.u32 $0xFFFFFFF0, v28  }
0x163: {  	v3 =	vor.u32 v3, v4  }
0x164: {  	v4 =	vperm.xlane v3, v0;
	_ =	sdelay $0x1  }
0x165: {  	v3 =	vperm.xlane v3, v2;
	v4 =	vadd.s32 v1, v4;
	_ =	sdelay $0x1  }
0x166: {  	v3 =	vadd.s32 v1, v3;
	_ =	sdelay $0x2  }
0x167: {  	[tilespmem:s15], [sflag:$0x1] =	stream.indirect_vreg.gather [hbm4b:s1+s3], $0x80, v4, vm0, $0xb8;
	[tilespmem:$0x1C400] =	vst v63  }
0x168: {  	s4 =	simm.s32 $0xC00  }
0x169: {  	[tilespmem:s4], [sflag:$0x1] =	stream.indirect_vreg.gather [hbm4b:s1+s3], $0x80, v3, vm0, $0xb8;
	[tilespmem:$0x1C400] =	vst v63  }
0x16a: {  	v3 =	vld [tilespmem:$0x1D0];
	_ =	sdelay $0x4  }
0x16b: {  	v29 =	vshll.u32 v3, $0x1  }
0x16c: {  	v3 =	vand.u32 $0x7, v3;
	v4 =	vand.u32 $0xFFFFFFF0, v29  }
0x16d: {  	v3 =	vor.u32 v3, v4  }
0x16e: {  	v4 =	vperm.xlane v3, v0;
	_ =	sdelay $0x1  }
0x16f: {  	v3 =	vperm.xlane v3, v2;
	v4 =	vadd.s32 v1, v4;
	_ =	sdelay $0x1  }
0x170: {  	v3 =	vadd.s32 v1, v3;
	_ =	sdelay $0x1  }
0x171: {  	s17 =	simm.s32 $0x1400  }
0x172: {  	[tilespmem:s17], [sflag:$0x1] =	stream.indirect_vreg.gather [hbm4b:s1+s3], $0x80, v4, vm0, $0xb8;
	[tilespmem:$0x1C400] =	vst v63  }
0x173: {  	s23 =	simm.s32 $0x1C00  }
0x174: {  	[tilespmem:s23], [sflag:$0x1] =	stream.indirect_vreg.gather [hbm4b:s1+s3], $0x80, v3, vm0, $0xb8;
	[tilespmem:$0x1C400] =	vst v63  }
0x175: {  	v3 =	vld [tilespmem:$0x1E0];
	_ =	sdelay $0x4  }
0x176: {  	v30 =	vshll.u32 v3, $0x1  }
0x177: {  	v3 =	vand.u32 $0x7, v3;
	v4 =	vand.u32 $0xFFFFFFF0, v30  }
0x178: {  	v3 =	vor.u32 v3, v4  }
0x179: {  	v4 =	vperm.xlane v3, v0;
	_ =	sdelay $0x1  }
0x17a: {  	v3 =	vperm.xlane v3, v2;
	v4 =	vadd.s32 v1, v4;
	_ =	sdelay $0x1  }
0x17b: {  	v3 =	vadd.s32 v1, v3;
	_ =	sdelay $0x1  }
0x17c: {  	s4 =	simm.s32 $0x2400  }
0x17d: {  	[tilespmem:s4], [sflag:$0x1] =	stream.indirect_vreg.gather [hbm4b:s1+s3], $0x80, v4, vm0, $0xb8;
	[tilespmem:$0x1C400] =	vst v63  }
0x17e: {  	s17 =	simm.s32 $0x2C00  }
0x17f: {  	[tilespmem:s17], [sflag:$0x1] =	stream.indirect_vreg.gather [hbm4b:s1+s3], $0x80, v3, vm0, $0xb8;
	[tilespmem:$0x1C400] =	vst v63  }
0x180: {  	v3 =	vld [tilespmem:$0x1F0];
	_ =	sdelay $0x4  }
0x181: {  	v31 =	vshll.u32 v3, $0x1  }
0x182: {  	v3 =	vand.u32 $0x7, v3;
	v4 =	vand.u32 $0xFFFFFFF0, v31  }
0x183: {  	v3 =	vor.u32 v3, v4  }
0x184: {  	v4 =	vperm.xlane v3, v0;
	_ =	sdelay $0x1  }
0x185: {  	v3 =	vperm.xlane v3, v2;
	v4 =	vadd.s32 v1, v4;
	_ =	sdelay $0x1  }
0x186: {  	v3 =	vadd.s32 v1, v3;
	_ =	sdelay $0x1  }
0x187: {  	s23 =	simm.s32 $0x3400  }
0x188: {  	[tilespmem:s23], [sflag:$0x1] =	stream.indirect_vreg.gather [hbm4b:s1+s3], $0x80, v4, vm0, $0xb8;
	[tilespmem:$0x1C400] =	vst v63  }
0x189: {  	s2 =	simm.s32 $0x3C00;
	s0 =	simm.s32 $0x3  }
0x18a: {  	[tilespmem:s2], [sflag:$0x1] =	stream.indirect_vreg.gather [hbm4b:s1+s3], $0x80, v3, vm0, $0xb8;
	[tilespmem:$0x1C400] =	vst v63  }
0x18b: {  	_ =	swait.ge [sflag:s0], $0x4000  }
0x18c: {  	[sflag:s0] =	ssyncset.done $0x0  }
0x18d: {  	s23 =	simm.s32 $0x8400;
	s4 =	rddreg [dreg:$0x7];
	[sflag:s0] =	ssyncadd.s32 $0xFFFFC000  }
0x18e: {  	[hbm4b:s4+s3] =	stream.linear.scatter [tilespmem:s23], [sflag:$0xA], $0x4000, $0x38;
	[tilespmem:$0x1C400] =	vst v63  }
0x18f: {  	_ =	swait.ge [sflag:s30], $0x4000  }
0x190: {  	[sflag:s30] =	ssyncset.done $0x0  }
0x191: {  	[sflag:s30] =	ssyncadd.s32 $0xFFFFC000  }
0x192: {  	v3 =	vld [tilespmem:$0x200];
	_ =	sdelay $0x4  }
0x193: {  	v32 =	vshll.u32 v3, $0x1  }
0x194: {  	v3 =	vand.u32 $0x7, v3;
	v4 =	vand.u32 $0xFFFFFFF0, v32  }
0x195: {  	v3 =	vor.u32 v3, v4  }
0x196: {  	v4 =	vperm.xlane v3, v0;
	_ =	sdelay $0x1  }
0x197: {  	v3 =	vperm.xlane v3, v2;
	v4 =	vadd.s32 v1, v4;
	_ =	sdelay $0x1  }
0x198: {  	v3 =	vadd.s32 v1, v3;
	_ =	sdelay $0x2  }
0x199: {  	[tilespmem:s29], [sflag:$0x2] =	stream.indirect_vreg.gather [hbm4b:s1+s3], $0x80, v4, vm0, $0xb8;
	[tilespmem:$0x1C400] =	vst v63  }
0x19a: {  	s17 =	simm.s32 $0x4C00  }
0x19b: {  	[tilespmem:s17], [sflag:$0x2] =	stream.indirect_vreg.gather [hbm4b:s1+s3], $0x80, v3, vm0, $0xb8;
	[tilespmem:$0x1C400] =	vst v63  }
0x19c: {  	v3 =	vld [tilespmem:$0x210];
	_ =	sdelay $0x4  }
0x19d: {  	v33 =	vshll.u32 v3, $0x1  }
0x19e: {  	v3 =	vand.u32 $0x7, v3;
	v4 =	vand.u32 $0xFFFFFFF0, v33  }
0x19f: {  	v3 =	vor.u32 v3, v4  }
0x1a0: {  	v4 =	vperm.xlane v3, v0;
	_ =	sdelay $0x1  }
0x1a1: {  	v3 =	vperm.xlane v3, v2;
	v4 =	vadd.s32 v1, v4;
	_ =	sdelay $0x1  }
0x1a2: {  	v3 =	vadd.s32 v1, v3;
	_ =	sdelay $0x1  }
0x1a3: {  	s4 =	simm.s32 $0x5400  }
0x1a4: {  	[tilespmem:s4], [sflag:$0x2] =	stream.indirect_vreg.gather [hbm4b:s1+s3], $0x80, v4, vm0, $0xb8;
	[tilespmem:$0x1C400] =	vst v63  }
0x1a5: {  	s17 =	simm.s32 $0x5C00  }
0x1a6: {  	[tilespmem:s17], [sflag:$0x2] =	stream.indirect_vreg.gather [hbm4b:s1+s3], $0x80, v3, vm0, $0xb8;
	[tilespmem:$0x1C400] =	vst v63  }
0x1a7: {  	v3 =	vld [tilespmem:$0x220];
	_ =	sdelay $0x4  }
0x1a8: {  	v34 =	vshll.u32 v3, $0x1  }
0x1a9: {  	v3 =	vand.u32 $0x7, v3;
	v4 =	vand.u32 $0xFFFFFFF0, v34  }
0x1aa: {  	v3 =	vor.u32 v3, v4  }
0x1ab: {  	v4 =	vperm.xlane v3, v0;
	_ =	sdelay $0x1  }
0x1ac: {  	v3 =	vperm.xlane v3, v2;
	v4 =	vadd.s32 v1, v4;
	_ =	sdelay $0x1  }
0x1ad: {  	v3 =	vadd.s32 v1, v3;
	_ =	sdelay $0x1  }
0x1ae: {  	s4 =	simm.s32 $0x6400  }
0x1af: {  	[tilespmem:s4], [sflag:$0x2] =	stream.indirect_vreg.gather [hbm4b:s1+s3], $0x80, v4, vm0, $0xb8;
	[tilespmem:$0x1C400] =	vst v63  }
0x1b0: {  	s17 =	simm.s32 $0x6C00  }
0x1b1: {  	[tilespmem:s17], [sflag:$0x2] =	stream.indirect_vreg.gather [hbm4b:s1+s3], $0x80, v3, vm0, $0xb8;
	[tilespmem:$0x1C400] =	vst v63  }
0x1b2: {  	v3 =	vld [tilespmem:$0x230];
	_ =	sdelay $0x4  }
0x1b3: {  	v35 =	vshll.u32 v3, $0x1  }
0x1b4: {  	v3 =	vand.u32 $0x7, v3;
	v4 =	vand.u32 $0xFFFFFFF0, v35  }
0x1b5: {  	v3 =	vor.u32 v3, v4  }
0x1b6: {  	v4 =	vperm.xlane v3, v0;
	_ =	sdelay $0x1  }
0x1b7: {  	v3 =	vperm.xlane v3, v2;
	v4 =	vadd.s32 v1, v4;
	_ =	sdelay $0x1  }
0x1b8: {  	v3 =	vadd.s32 v1, v3;
	_ =	sdelay $0x1  }
0x1b9: {  	s4 =	simm.s32 $0x7400  }
0x1ba: {  	[tilespmem:s4], [sflag:$0x2] =	stream.indirect_vreg.gather [hbm4b:s1+s3], $0x80, v4, vm0, $0xb8;
	[tilespmem:$0x1C400] =	vst v63  }
0x1bb: {  	s2 =	simm.s32 $0x4;
	s17 =	simm.s32 $0x7C00  }
0x1bc: {  	[tilespmem:s17], [sflag:$0x2] =	stream.indirect_vreg.gather [hbm4b:s1+s3], $0x80, v3, vm0, $0xb8;
	[tilespmem:$0x1C400] =	vst v63  }
0x1bd: {  	_ =	swait.ge [sflag:s2], $0x4000  }
0x1be: {  	[sflag:s2] =	ssyncset.done $0x0  }
0x1bf: {  	s4 =	rddreg [dreg:$0x8];
	[sflag:s2] =	ssyncadd.s32 $0xFFFFC000  }
0x1c0: {  	[hbm4b:s4+s3] =	stream.linear.scatter [tilespmem:s25], [sflag:$0xB], $0x4000, $0x38;
	[tilespmem:$0x1C400] =	vst v63  }
0x1c1: {  	s4 =	simm.s32 $0xA  }
0x1c2: {  	_ =	swait.ge [sflag:s4], $0x4000  }
0x1c3: {  	[sflag:s4] =	ssyncset.done $0x0  }
0x1c4: {  	[sflag:s4] =	ssyncadd.s32 $0xFFFFC000  }
0x1c5: {  	v3 =	vld [tilespmem:$0x240];
	_ =	sdelay $0x4  }
0x1c6: {  	v36 =	vshll.u32 v3, $0x1  }
0x1c7: {  	v3 =	vand.u32 $0x7, v3;
	v4 =	vand.u32 $0xFFFFFFF0, v36  }
0x1c8: {  	v3 =	vor.u32 v3, v4  }
0x1c9: {  	v4 =	vperm.xlane v3, v0;
	_ =	sdelay $0x1  }
0x1ca: {  	v3 =	vperm.xlane v3, v2;
	v4 =	vadd.s32 v1, v4;
	_ =	sdelay $0x1  }
0x1cb: {  	v3 =	vadd.s32 v1, v3;
	_ =	sdelay $0x2  }
0x1cc: {  	[tilespmem:s23], [sflag:$0x3] =	stream.indirect_vreg.gather [hbm4b:s1+s3], $0x80, v4, vm0, $0xb8;
	[tilespmem:$0x1C400] =	vst v63  }
0x1cd: {  	_ = 	snop  }
0x1ce: {  	[tilespmem:s8], [sflag:$0x3] =	stream.indirect_vreg.gather [hbm4b:s1+s3], $0x80, v3, vm0, $0xb8;
	[tilespmem:$0x1C400] =	vst v63  }
0x1cf: {  	v3 =	vld [tilespmem:$0x250];
	_ =	sdelay $0x4  }
0x1d0: {  	v37 =	vshll.u32 v3, $0x1  }
0x1d1: {  	v3 =	vand.u32 $0x7, v3;
	v4 =	vand.u32 $0xFFFFFFF0, v37  }
0x1d2: {  	v3 =	vor.u32 v3, v4  }
0x1d3: {  	v4 =	vperm.xlane v3, v0;
	_ =	sdelay $0x1  }
0x1d4: {  	v3 =	vperm.xlane v3, v2;
	v4 =	vadd.s32 v1, v4;
	_ =	sdelay $0x1  }
0x1d5: {  	v3 =	vadd.s32 v1, v3;
	_ =	sdelay $0x2  }
0x1d6: {  	[tilespmem:s26], [sflag:$0x3] =	stream.indirect_vreg.gather [hbm4b:s1+s3], $0x80, v4, vm0, $0xb8;
	[tilespmem:$0x1C400] =	vst v63  }
0x1d7: {  	_ = 	snop  }
0x1d8: {  	[tilespmem:s9], [sflag:$0x3] =	stream.indirect_vreg.gather [hbm4b:s1+s3], $0x80, v3, vm0, $0xb8;
	[tilespmem:$0x1C400] =	vst v63  }
0x1d9: {  	v3 =	vld [tilespmem:$0x260];
	_ =	sdelay $0x4  }
0x1da: {  	v38 =	vshll.u32 v3, $0x1  }
0x1db: {  	v3 =	vand.u32 $0x7, v3;
	v4 =	vand.u32 $0xFFFFFFF0, v38  }
0x1dc: {  	v3 =	vor.u32 v3, v4  }
0x1dd: {  	v4 =	vperm.xlane v3, v0;
	_ =	sdelay $0x1  }
0x1de: {  	v3 =	vperm.xlane v3, v2;
	v4 =	vadd.s32 v1, v4;
	_ =	sdelay $0x1  }
0x1df: {  	v3 =	vadd.s32 v1, v3;
	_ =	sdelay $0x2  }
0x1e0: {  	[tilespmem:s19], [sflag:$0x3] =	stream.indirect_vreg.gather [hbm4b:s1+s3], $0x80, v4, vm0, $0xb8;
	[tilespmem:$0x1C400] =	vst v63  }
0x1e1: {  	_ = 	snop  }
0x1e2: {  	[tilespmem:s20], [sflag:$0x3] =	stream.indirect_vreg.gather [hbm4b:s1+s3], $0x80, v3, vm0, $0xb8;
	[tilespmem:$0x1C400] =	vst v63  }
0x1e3: {  	v3 =	vld [tilespmem:$0x270];
	_ =	sdelay $0x4  }
0x1e4: {  	v39 =	vshll.u32 v3, $0x1  }
0x1e5: {  	v3 =	vand.u32 $0x7, v3;
	v4 =	vand.u32 $0xFFFFFFF0, v39  }
0x1e6: {  	v3 =	vor.u32 v3, v4  }
0x1e7: {  	v4 =	vperm.xlane v3, v0;
	_ =	sdelay $0x1  }
0x1e8: {  	v3 =	vperm.xlane v3, v2;
	v4 =	vadd.s32 v1, v4;
	_ =	sdelay $0x1  }
0x1e9: {  	v3 =	vadd.s32 v1, v3;
	_ =	sdelay $0x2  }
0x1ea: {  	[tilespmem:s21], [sflag:$0x3] =	stream.indirect_vreg.gather [hbm4b:s1+s3], $0x80, v4, vm0, $0xb8;
	[tilespmem:$0x1C400] =	vst v63  }
0x1eb: {  	s8 =	simm.s32 $0x5  }
0x1ec: {  	[tilespmem:s22], [sflag:$0x3] =	stream.indirect_vreg.gather [hbm4b:s1+s3], $0x80, v3, vm0, $0xb8;
	[tilespmem:$0x1C400] =	vst v63  }
0x1ed: {  	_ =	swait.ge [sflag:s8], $0x4000  }
0x1ee: {  	[sflag:s8] =	ssyncset.done $0x0  }
0x1ef: {  	s20 =	simm.s32 $0x10400;
	s9 =	rddreg [dreg:$0x9];
	[sflag:s8] =	ssyncadd.s32 $0xFFFFC000  }
0x1f0: {  	[hbm4b:s9+s3] =	stream.linear.scatter [tilespmem:s20], [sflag:$0xC], $0x4000, $0x38;
	[tilespmem:$0x1C400] =	vst v63  }
0x1f1: {  	s9 =	simm.s32 $0xB  }
0x1f2: {  	_ =	swait.ge [sflag:s9], $0x4000  }
0x1f3: {  	[sflag:s9] =	ssyncset.done $0x0  }
0x1f4: {  	[sflag:s9] =	ssyncadd.s32 $0xFFFFC000  }
0x1f5: {  	v3 =	vld [tilespmem:$0x280];
	_ =	sdelay $0x4  }
0x1f6: {  	v40 =	vshll.u32 v3, $0x1  }
0x1f7: {  	v3 =	vand.u32 $0x7, v3;
	v4 =	vand.u32 $0xFFFFFFF0, v40  }
0x1f8: {  	v3 =	vor.u32 v3, v4  }
0x1f9: {  	v4 =	vperm.xlane v3, v0;
	_ =	sdelay $0x1  }
0x1fa: {  	v3 =	vperm.xlane v3, v2;
	v4 =	vadd.s32 v1, v4;
	_ =	sdelay $0x1  }
0x1fb: {  	v3 =	vadd.s32 v1, v3;
	_ =	sdelay $0x2  }
0x1fc: {  	[tilespmem:s25], [sflag:$0x4] =	stream.indirect_vreg.gather [hbm4b:s1+s3], $0x80, v4, vm0, $0xb8;
	[tilespmem:$0x1C400] =	vst v63  }
0x1fd: {  	_ = 	snop  }
0x1fe: {  	[tilespmem:s31], [sflag:$0x4] =	stream.indirect_vreg.gather [hbm4b:s1+s3], $0x80, v3, vm0, $0xb8;
	[tilespmem:$0x1C400] =	vst v63  }
0x1ff: {  	v3 =	vld [tilespmem:$0x290];
	_ =	sdelay $0x4  }
0x200: {  	v41 =	vshll.u32 v3, $0x1  }
0x201: {  	v3 =	vand.u32 $0x7, v3;
	v4 =	vand.u32 $0xFFFFFFF0, v41  }
0x202: {  	v3 =	vor.u32 v3, v4  }
0x203: {  	v4 =	vperm.xlane v3, v0;
	_ =	sdelay $0x1  }
0x204: {  	v3 =	vperm.xlane v3, v2;
	v4 =	vadd.s32 v1, v4;
	_ =	sdelay $0x1  }
0x205: {  	v3 =	vadd.s32 v1, v3;
	_ =	sdelay $0x2  }
0x206: {  	[tilespmem:s13], [sflag:$0x4] =	stream.indirect_vreg.gather [hbm4b:s1+s3], $0x80, v4, vm0, $0xb8;
	[tilespmem:$0x1C400] =	vst v63  }
0x207: {  	_ = 	snop  }
0x208: {  	[tilespmem:s12], [sflag:$0x4] =	stream.indirect_vreg.gather [hbm4b:s1+s3], $0x80, v3, vm0, $0xb8;
	[tilespmem:$0x1C400] =	vst v63  }
0x209: {  	v3 =	vld [tilespmem:$0x2A0];
	_ =	sdelay $0x4  }
0x20a: {  	v42 =	vshll.u32 v3, $0x1  }
0x20b: {  	v3 =	vand.u32 $0x7, v3;
	v4 =	vand.u32 $0xFFFFFFF0, v42  }
0x20c: {  	v3 =	vor.u32 v3, v4  }
0x20d: {  	v4 =	vperm.xlane v3, v0;
	_ =	sdelay $0x1  }
0x20e: {  	v3 =	vperm.xlane v3, v2;
	v4 =	vadd.s32 v1, v4;
	_ =	sdelay $0x1  }
0x20f: {  	v3 =	vadd.s32 v1, v3;
	_ =	sdelay $0x2  }
0x210: {  	[tilespmem:s14], [sflag:$0x4] =	stream.indirect_vreg.gather [hbm4b:s1+s3], $0x80, v4, vm0, $0xb8;
	[tilespmem:$0x1C400] =	vst v63  }
0x211: {  	_ = 	snop  }
0x212: {  	[tilespmem:s18], [sflag:$0x4] =	stream.indirect_vreg.gather [hbm4b:s1+s3], $0x80, v3, vm0, $0xb8;
	[tilespmem:$0x1C400] =	vst v63  }
0x213: {  	v3 =	vld [tilespmem:$0x2B0];
	_ =	sdelay $0x4  }
0x214: {  	v43 =	vshll.u32 v3, $0x1  }
0x215: {  	v3 =	vand.u32 $0x7, v3;
	v4 =	vand.u32 $0xFFFFFFF0, v43  }
0x216: {  	v3 =	vor.u32 v3, v4  }
0x217: {  	v4 =	vperm.xlane v3, v0;
	_ =	sdelay $0x1  }
0x218: {  	v3 =	vperm.xlane v3, v2;
	v4 =	vadd.s32 v1, v4;
	_ =	sdelay $0x1  }
0x219: {  	v3 =	vadd.s32 v1, v3;
	_ =	sdelay $0x2  }
0x21a: {  	[tilespmem:s10], [sflag:$0x4] =	stream.indirect_vreg.gather [hbm4b:s1+s3], $0x80, v4, vm0, $0xb8;
	[tilespmem:$0x1C400] =	vst v63  }
0x21b: {  	s10 =	simm.s32 $0x6  }
0x21c: {  	[tilespmem:s11], [sflag:$0x4] =	stream.indirect_vreg.gather [hbm4b:s1+s3], $0x80, v3, vm0, $0xb8;
	[tilespmem:$0x1C400] =	vst v63  }
0x21d: {  	_ =	swait.ge [sflag:s10], $0x4000  }
0x21e: {  	[sflag:s10] =	ssyncset.done $0x0  }
0x21f: {  	s11 =	simm.s32 $0xC;
	s14 =	rddreg [dreg:$0xa];
	[sflag:s10] =	ssyncadd.s32 $0xFFFFC000  }
0x220: {  	[hbm4b:s14+s3] =	stream.linear.scatter [tilespmem:s7], [sflag:$0xD], $0x4000, $0x38;
	[tilespmem:$0x1C400] =	vst v63  }
0x221: {  	_ =	swait.ge [sflag:s11], $0x4000  }
0x222: {  	[sflag:s11] =	ssyncset.done $0x0  }
0x223: {  	[sflag:s11] =	ssyncadd.s32 $0xFFFFC000  }
0x224: {  	v3 =	vld [tilespmem:$0x2C0];
	_ =	sdelay $0x4  }
0x225: {  	v44 =	vshll.u32 v3, $0x1  }
0x226: {  	v3 =	vand.u32 $0x7, v3;
	v4 =	vand.u32 $0xFFFFFFF0, v44  }
0x227: {  	v3 =	vor.u32 v3, v4  }
0x228: {  	v4 =	vperm.xlane v3, v0;
	_ =	sdelay $0x1  }
0x229: {  	v3 =	vperm.xlane v3, v2;
	v4 =	vadd.s32 v1, v4;
	_ =	sdelay $0x1  }
0x22a: {  	v3 =	vadd.s32 v1, v3;
	_ =	sdelay $0x2  }
0x22b: {  	[tilespmem:s20], [sflag:$0x5] =	stream.indirect_vreg.gather [hbm4b:s1+s3], $0x80, v4, vm0, $0xb8;
	[tilespmem:$0x1C400] =	vst v63  }
0x22c: {  	s17 =	simm.s32 $0x10C00  }
0x22d: {  	[tilespmem:s17], [sflag:$0x5] =	stream.indirect_vreg.gather [hbm4b:s1+s3], $0x80, v3, vm0, $0xb8;
	[tilespmem:$0x1C400] =	vst v63  }
0x22e: {  	v3 =	vld [tilespmem:$0x2D0];
	_ =	sdelay $0x4  }
0x22f: {  	v45 =	vshll.u32 v3, $0x1  }
0x230: {  	v3 =	vand.u32 $0x7, v3;
	v4 =	vand.u32 $0xFFFFFFF0, v45  }
0x231: {  	v3 =	vor.u32 v3, v4  }
0x232: {  	v4 =	vperm.xlane v3, v0;
	_ =	sdelay $0x1  }
0x233: {  	v3 =	vperm.xlane v3, v2;
	v4 =	vadd.s32 v1, v4;
	_ =	sdelay $0x1  }
0x234: {  	v3 =	vadd.s32 v1, v3;
	_ =	sdelay $0x1  }
0x235: {  	s20 =	simm.s32 $0x11400  }
0x236: {  	[tilespmem:s20], [sflag:$0x5] =	stream.indirect_vreg.gather [hbm4b:s1+s3], $0x80, v4, vm0, $0xb8;
	[tilespmem:$0x1C400] =	vst v63  }
0x237: {  	s13 =	simm.s32 $0x11C00  }
0x238: {  	[tilespmem:s13], [sflag:$0x5] =	stream.indirect_vreg.gather [hbm4b:s1+s3], $0x80, v3, vm0, $0xb8;
	[tilespmem:$0x1C400] =	vst v63  }
0x239: {  	v3 =	vld [tilespmem:$0x2E0];
	_ =	sdelay $0x4  }
0x23a: {  	v46 =	vshll.u32 v3, $0x1  }
0x23b: {  	v3 =	vand.u32 $0x7, v3;
	v4 =	vand.u32 $0xFFFFFFF0, v46  }
0x23c: {  	v3 =	vor.u32 v3, v4  }
0x23d: {  	v4 =	vperm.xlane v3, v0;
	_ =	sdelay $0x1  }
0x23e: {  	v3 =	vperm.xlane v3, v2;
	v4 =	vadd.s32 v1, v4;
	_ =	sdelay $0x1  }
0x23f: {  	v3 =	vadd.s32 v1, v3;
	_ =	sdelay $0x1  }
0x240: {  	s14 =	simm.s32 $0x12400  }
0x241: {  	[tilespmem:s14], [sflag:$0x5] =	stream.indirect_vreg.gather [hbm4b:s1+s3], $0x80, v4, vm0, $0xb8;
	[tilespmem:$0x1C400] =	vst v63  }
0x242: {  	s17 =	simm.s32 $0x12C00  }
0x243: {  	[tilespmem:s17], [sflag:$0x5] =	stream.indirect_vreg.gather [hbm4b:s1+s3], $0x80, v3, vm0, $0xb8;
	[tilespmem:$0x1C400] =	vst v63  }
0x244: {  	v3 =	vld [tilespmem:$0x2F0];
	_ =	sdelay $0x4  }
0x245: {  	v47 =	vshll.u32 v3, $0x1  }
0x246: {  	v3 =	vand.u32 $0x7, v3;
	v4 =	vand.u32 $0xFFFFFFF0, v47  }
0x247: {  	v3 =	vor.u32 v3, v4  }
0x248: {  	v4 =	vperm.xlane v3, v0;
	_ =	sdelay $0x1  }
0x249: {  	v3 =	vperm.xlane v3, v2;
	v4 =	vadd.s32 v1, v4;
	_ =	sdelay $0x1  }
0x24a: {  	v3 =	vadd.s32 v1, v3;
	_ =	sdelay $0x1  }
0x24b: {  	s20 =	simm.s32 $0x13400  }
0x24c: {  	[tilespmem:s20], [sflag:$0x5] =	stream.indirect_vreg.gather [hbm4b:s1+s3], $0x80, v4, vm0, $0xb8;
	[tilespmem:$0x1C400] =	vst v63  }
0x24d: {  	s12 =	simm.s32 $0x7;
	s13 =	simm.s32 $0x13C00  }
0x24e: {  	[tilespmem:s13], [sflag:$0x5] =	stream.indirect_vreg.gather [hbm4b:s1+s3], $0x80, v3, vm0, $0xb8;
	[tilespmem:$0x1C400] =	vst v63  }
0x24f: {  	_ =	swait.ge [sflag:s12], $0x4000  }
0x250: {  	[sflag:s12] =	ssyncset.done $0x0  }
0x251: {  	s13 =	simm.s32 $0xD;
	s14 =	rddreg [dreg:$0xb];
	[sflag:s12] =	ssyncadd.s32 $0xFFFFC000  }
0x252: {  	[hbm4b:s14+s3] =	stream.linear.scatter [tilespmem:s6], [sflag:$0xE], $0x4000, $0x38;
	[tilespmem:$0x1C400] =	vst v63  }
0x253: {  	_ =	swait.ge [sflag:s13], $0x4000  }
0x254: {  	[sflag:s13] =	ssyncset.done $0x0  }
0x255: {  	[sflag:s13] =	ssyncadd.s32 $0xFFFFC000  }
0x256: {  	v3 =	vld [tilespmem:$0x300];
	_ =	sdelay $0x4  }
0x257: {  	v48 =	vshll.u32 v3, $0x1  }
0x258: {  	v3 =	vand.u32 $0x7, v3;
	v4 =	vand.u32 $0xFFFFFFF0, v48  }
0x259: {  	v3 =	vor.u32 v3, v4  }
0x25a: {  	v4 =	vperm.xlane v3, v0;
	_ =	sdelay $0x1  }
0x25b: {  	v3 =	vperm.xlane v3, v2;
	v4 =	vadd.s32 v1, v4;
	_ =	sdelay $0x1  }
0x25c: {  	v3 =	vadd.s32 v1, v3;
	_ =	sdelay $0x2  }
0x25d: {  	[tilespmem:s7], [sflag:$0x6] =	stream.indirect_vreg.gather [hbm4b:s1+s3], $0x80, v4, vm0, $0xb8;
	[tilespmem:$0x1C400] =	vst v63  }
0x25e: {  	s20 =	simm.s32 $0x14C00  }
0x25f: {  	[tilespmem:s20], [sflag:$0x6] =	stream.indirect_vreg.gather [hbm4b:s1+s3], $0x80, v3, vm0, $0xb8;
	[tilespmem:$0x1C400] =	vst v63  }
0x260: {  	v3 =	vld [tilespmem:$0x310];
	_ =	sdelay $0x4  }
0x261: {  	v49 =	vshll.u32 v3, $0x1  }
0x262: {  	v3 =	vand.u32 $0x7, v3;
	v4 =	vand.u32 $0xFFFFFFF0, v49  }
0x263: {  	v3 =	vor.u32 v3, v4  }
0x264: {  	v4 =	vperm.xlane v3, v0;
	_ =	sdelay $0x1  }
0x265: {  	v3 =	vperm.xlane v3, v2;
	v4 =	vadd.s32 v1, v4;
	_ =	sdelay $0x1  }
0x266: {  	v3 =	vadd.s32 v1, v3;
	_ =	sdelay $0x1  }
0x267: {  	s17 =	simm.s32 $0x15400  }
0x268: {  	[tilespmem:s17], [sflag:$0x6] =	stream.indirect_vreg.gather [hbm4b:s1+s3], $0x80, v4, vm0, $0xb8;
	[tilespmem:$0x1C400] =	vst v63  }
0x269: {  	s20 =	simm.s32 $0x15C00  }
0x26a: {  	[tilespmem:s20], [sflag:$0x6] =	stream.indirect_vreg.gather [hbm4b:s1+s3], $0x80, v3, vm0, $0xb8;
	[tilespmem:$0x1C400] =	vst v63  }
0x26b: {  	v3 =	vld [tilespmem:$0x320];
	_ =	sdelay $0x4  }
0x26c: {  	v50 =	vshll.u32 v3, $0x1  }
0x26d: {  	v3 =	vand.u32 $0x7, v3;
	v4 =	vand.u32 $0xFFFFFFF0, v50  }
0x26e: {  	v3 =	vor.u32 v3, v4  }
0x26f: {  	v4 =	vperm.xlane v3, v0;
	_ =	sdelay $0x1  }
0x270: {  	v3 =	vperm.xlane v3, v2;
	v4 =	vadd.s32 v1, v4;
	_ =	sdelay $0x1  }
0x271: {  	v3 =	vadd.s32 v1, v3;
	_ =	sdelay $0x1  }
0x272: {  	s17 =	simm.s32 $0x16400  }
0x273: {  	[tilespmem:s17], [sflag:$0x6] =	stream.indirect_vreg.gather [hbm4b:s1+s3], $0x80, v4, vm0, $0xb8;
	[tilespmem:$0x1C400] =	vst v63  }
0x274: {  	s20 =	simm.s32 $0x16C00  }
0x275: {  	[tilespmem:s20], [sflag:$0x6] =	stream.indirect_vreg.gather [hbm4b:s1+s3], $0x80, v3, vm0, $0xb8;
	[tilespmem:$0x1C400] =	vst v63  }
0x276: {  	v3 =	vld [tilespmem:$0x330];
	_ =	sdelay $0x4  }
0x277: {  	v51 =	vshll.u32 v3, $0x1  }
0x278: {  	v3 =	vand.u32 $0x7, v3;
	v4 =	vand.u32 $0xFFFFFFF0, v51  }
0x279: {  	v3 =	vor.u32 v3, v4  }
0x27a: {  	v4 =	vperm.xlane v3, v0;
	_ =	sdelay $0x1  }
0x27b: {  	v3 =	vperm.xlane v3, v2;
	v4 =	vadd.s32 v1, v4;
	_ =	sdelay $0x1  }
0x27c: {  	v3 =	vadd.s32 v1, v3;
	_ =	sdelay $0x1  }
0x27d: {  	s17 =	simm.s32 $0x17400  }
0x27e: {  	[tilespmem:s17], [sflag:$0x6] =	stream.indirect_vreg.gather [hbm4b:s1+s3], $0x80, v4, vm0, $0xb8;
	[tilespmem:$0x1C400] =	vst v63  }
0x27f: {  	s20 =	simm.s32 $0x17C00  }
0x280: {  	[tilespmem:s20], [sflag:$0x6] =	stream.indirect_vreg.gather [hbm4b:s1+s3], $0x80, v3, vm0, $0xb8;
	[tilespmem:$0x1C400] =	vst v63  }
0x281: {  	_ =	swait.ge [sflag:s16], $0x4000  }
0x282: {  	[sflag:s16] =	ssyncset.done $0x0  }
0x283: {  	s14 =	rddreg [dreg:$0xc];
	[sflag:s16] =	ssyncadd.s32 $0xFFFFC000  }
0x284: {  	[hbm4b:s14+s3] =	stream.linear.scatter [tilespmem:s15], [sflag:$0x8], $0x4000, $0x38;
	[tilespmem:$0x1C400] =	vst v63  }
0x285: {  	s14 =	simm.s32 $0xE  }
0x286: {  	_ =	swait.ge [sflag:s14], $0x4000  }
0x287: {  	[sflag:s14] =	ssyncset.done $0x0  }
0x288: {  	[sflag:s14] =	ssyncadd.s32 $0xFFFFC000  }
0x289: {  	v3 =	vld [tilespmem:$0x340];
	_ =	sdelay $0x4  }
0x28a: {  	v52 =	vshll.u32 v3, $0x1  }
0x28b: {  	v3 =	vand.u32 $0x7, v3;
	v4 =	vand.u32 $0xFFFFFFF0, v52  }
0x28c: {  	v3 =	vor.u32 v3, v4  }
0x28d: {  	v4 =	vperm.xlane v3, v0;
	_ =	sdelay $0x1  }
0x28e: {  	v3 =	vperm.xlane v3, v2;
	v4 =	vadd.s32 v1, v4;
	_ =	sdelay $0x1  }
0x28f: {  	v3 =	vadd.s32 v1, v3;
	_ =	sdelay $0x2  }
0x290: {  	[tilespmem:s6], [sflag:$0x7] =	stream.indirect_vreg.gather [hbm4b:s1+s3], $0x80, v4, vm0, $0xb8;
	[tilespmem:$0x1C400] =	vst v63  }
0x291: {  	s20 =	simm.s32 $0x18C00  }
0x292: {  	[tilespmem:s20], [sflag:$0x7] =	stream.indirect_vreg.gather [hbm4b:s1+s3], $0x80, v3, vm0, $0xb8;
	[tilespmem:$0x1C400] =	vst v63  }
0x293: {  	v3 =	vld [tilespmem:$0x350];
	_ =	sdelay $0x4  }
0x294: {  	v53 =	vshll.u32 v3, $0x1  }
0x295: {  	v3 =	vand.u32 $0x7, v3;
	v4 =	vand.u32 $0xFFFFFFF0, v53  }
0x296: {  	v3 =	vor.u32 v3, v4  }
0x297: {  	v4 =	vperm.xlane v3, v0;
	_ =	sdelay $0x1  }
0x298: {  	v3 =	vperm.xlane v3, v2;
	v4 =	vadd.s32 v1, v4;
	_ =	sdelay $0x1  }
0x299: {  	v3 =	vadd.s32 v1, v3;
	_ =	sdelay $0x1  }
0x29a: {  	s20 =	simm.s32 $0x19400  }
0x29b: {  	[tilespmem:s20], [sflag:$0x7] =	stream.indirect_vreg.gather [hbm4b:s1+s3], $0x80, v4, vm0, $0xb8;
	[tilespmem:$0x1C400] =	vst v63  }
0x29c: {  	s20 =	simm.s32 $0x19C00  }
0x29d: {  	[tilespmem:s20], [sflag:$0x7] =	stream.indirect_vreg.gather [hbm4b:s1+s3], $0x80, v3, vm0, $0xb8;
	[tilespmem:$0x1C400] =	vst v63  }
0x29e: {  	v3 =	vld [tilespmem:$0x360];
	_ =	sdelay $0x4  }
0x29f: {  	v54 =	vshll.u32 v3, $0x1  }
0x2a0: {  	v3 =	vand.u32 $0x7, v3;
	v4 =	vand.u32 $0xFFFFFFF0, v54  }
0x2a1: {  	v3 =	vor.u32 v3, v4  }
0x2a2: {  	v4 =	vperm.xlane v3, v0;
	_ =	sdelay $0x1  }
0x2a3: {  	v3 =	vperm.xlane v3, v2;
	v4 =	vadd.s32 v1, v4;
	_ =	sdelay $0x1  }
0x2a4: {  	v3 =	vadd.s32 v1, v3;
	_ =	sdelay $0x1  }
0x2a5: {  	s20 =	simm.s32 $0x1A400  }
0x2a6: {  	[tilespmem:s20], [sflag:$0x7] =	stream.indirect_vreg.gather [hbm4b:s1+s3], $0x80, v4, vm0, $0xb8;
	[tilespmem:$0x1C400] =	vst v63  }
0x2a7: {  	s20 =	simm.s32 $0x1AC00  }
0x2a8: {  	[tilespmem:s20], [sflag:$0x7] =	stream.indirect_vreg.gather [hbm4b:s1+s3], $0x80, v3, vm0, $0xb8;
	[tilespmem:$0x1C400] =	vst v63  }
0x2a9: {  	v3 =	vld [tilespmem:$0x370];
	_ =	sdelay $0x4  }
0x2aa: {  	v55 =	vshll.u32 v3, $0x1  }
0x2ab: {  	v3 =	vand.u32 $0x7, v3;
	v4 =	vand.u32 $0xFFFFFFF0, v55  }
0x2ac: {  	v3 =	vor.u32 v3, v4  }
0x2ad: {  	v4 =	vperm.xlane v3, v0;
	_ =	sdelay $0x1  }
0x2ae: {  	v3 =	vperm.xlane v3, v2;
	v4 =	vadd.s32 v1, v4;
	_ =	sdelay $0x1  }
0x2af: {  	v3 =	vadd.s32 v1, v3;
	_ =	sdelay $0x1  }
0x2b0: {  	s20 =	simm.s32 $0x1B400  }
0x2b1: {  	[tilespmem:s20], [sflag:$0x7] =	stream.indirect_vreg.gather [hbm4b:s1+s3], $0x80, v4, vm0, $0xb8;
	[tilespmem:$0x1C400] =	vst v63  }
0x2b2: {  	s20 =	simm.s32 $0x1BC00  }
0x2b3: {  	[tilespmem:s20], [sflag:$0x7] =	stream.indirect_vreg.gather [hbm4b:s1+s3], $0x80, v3, vm0, $0xb8;
	[tilespmem:$0x1C400] =	vst v63  }
0x2b4: {  	_ =	swait.ge [sflag:s24], $0x4000  }
0x2b5: {  	[sflag:s24] =	ssyncset.done $0x0  }
0x2b6: {  	s20 =	rddreg [dreg:$0xd];
	[sflag:s24] =	ssyncadd.s32 $0xFFFFC000  }
0x2b7: {  	[hbm4b:s20+s3] =	stream.linear.scatter [tilespmem:s29], [sflag:$0x9], $0x4000, $0x38;
	[tilespmem:$0x1C400] =	vst v63  }
0x2b8: {  	_ =	swait.ge [sflag:s28], $0x4000  }
0x2b9: {  	[sflag:s28] =	ssyncset.done $0x0  }
0x2ba: {  	[sflag:s28] =	ssyncadd.s32 $0xFFFFC000  }
0x2bb: {  	v3 =	vld [tilespmem:$0x380];
	_ =	sdelay $0x4  }
0x2bc: {  	v56 =	vshll.u32 v3, $0x1  }
0x2bd: {  	v3 =	vand.u32 $0x7, v3;
	v4 =	vand.u32 $0xFFFFFFF0, v56  }
0x2be: {  	v3 =	vor.u32 v3, v4  }
0x2bf: {  	v4 =	vperm.xlane v3, v0;
	_ =	sdelay $0x1  }
0x2c0: {  	v3 =	vperm.xlane v3, v2;
	v4 =	vadd.s32 v1, v4;
	_ =	sdelay $0x1  }
0x2c1: {  	v3 =	vadd.s32 v1, v3;
	_ =	sdelay $0x2  }
0x2c2: {  	[tilespmem:s15], [sflag:$0x1] =	stream.indirect_vreg.gather [hbm4b:s1+s3], $0x80, v4, vm0, $0xb8;
	[tilespmem:$0x1C400] =	vst v63  }
0x2c3: {  	s20 =	simm.s32 $0xC00  }
0x2c4: {  	[tilespmem:s20], [sflag:$0x1] =	stream.indirect_vreg.gather [hbm4b:s1+s3], $0x80, v3, vm0, $0xb8;
	[tilespmem:$0x1C400] =	vst v63  }
0x2c5: {  	v3 =	vld [tilespmem:$0x390];
	_ =	sdelay $0x4  }
0x2c6: {  	v57 =	vshll.u32 v3, $0x1  }
0x2c7: {  	v3 =	vand.u32 $0x7, v3;
	v4 =	vand.u32 $0xFFFFFFF0, v57  }
0x2c8: {  	v3 =	vor.u32 v3, v4  }
0x2c9: {  	v4 =	vperm.xlane v3, v0;
	_ =	sdelay $0x1  }
0x2ca: {  	v3 =	vperm.xlane v3, v2;
	v4 =	vadd.s32 v1, v4;
	_ =	sdelay $0x1  }
0x2cb: {  	v3 =	vadd.s32 v1, v3;
	_ =	sdelay $0x1  }
0x2cc: {  	s20 =	simm.s32 $0x1400  }
0x2cd: {  	[tilespmem:s20], [sflag:$0x1] =	stream.indirect_vreg.gather [hbm4b:s1+s3], $0x80, v4, vm0, $0xb8;
	[tilespmem:$0x1C400] =	vst v63  }
0x2ce: {  	s20 =	simm.s32 $0x1C00  }
0x2cf: {  	[tilespmem:s20], [sflag:$0x1] =	stream.indirect_vreg.gather [hbm4b:s1+s3], $0x80, v3, vm0, $0xb8;
	[tilespmem:$0x1C400] =	vst v63  }
0x2d0: {  	v3 =	vld [tilespmem:$0x3A0];
	_ =	sdelay $0x4  }
0x2d1: {  	v58 =	vshll.u32 v3, $0x1  }
0x2d2: {  	v3 =	vand.u32 $0x7, v3;
	v4 =	vand.u32 $0xFFFFFFF0, v58  }
0x2d3: {  	v3 =	vor.u32 v3, v4  }
0x2d4: {  	v4 =	vperm.xlane v3, v0;
	_ =	sdelay $0x1  }
0x2d5: {  	v3 =	vperm.xlane v3, v2;
	v4 =	vadd.s32 v1, v4;
	_ =	sdelay $0x1  }
0x2d6: {  	v3 =	vadd.s32 v1, v3;
	_ =	sdelay $0x1  }
0x2d7: {  	s20 =	simm.s32 $0x2400  }
0x2d8: {  	[tilespmem:s20], [sflag:$0x1] =	stream.indirect_vreg.gather [hbm4b:s1+s3], $0x80, v4, vm0, $0xb8;
	[tilespmem:$0x1C400] =	vst v63  }
0x2d9: {  	s20 =	simm.s32 $0x2C00  }
0x2da: {  	[tilespmem:s20], [sflag:$0x1] =	stream.indirect_vreg.gather [hbm4b:s1+s3], $0x80, v3, vm0, $0xb8;
	[tilespmem:$0x1C400] =	vst v63  }
0x2db: {  	v3 =	vld [tilespmem:$0x3B0];
	_ =	sdelay $0x4  }
0x2dc: {  	v59 =	vshll.u32 v3, $0x1  }
0x2dd: {  	v3 =	vand.u32 $0x7, v3;
	v4 =	vand.u32 $0xFFFFFFF0, v59  }
0x2de: {  	v3 =	vor.u32 v3, v4  }
0x2df: {  	v4 =	vperm.xlane v3, v0;
	_ =	sdelay $0x1  }
0x2e0: {  	v3 =	vperm.xlane v3, v2;
	v4 =	vadd.s32 v1, v4;
	_ =	sdelay $0x1  }
0x2e1: {  	v3 =	vadd.s32 v1, v3;
	_ =	sdelay $0x1  }
0x2e2: {  	s20 =	simm.s32 $0x3400  }
0x2e3: {  	[tilespmem:s20], [sflag:$0x1] =	stream.indirect_vreg.gather [hbm4b:s1+s3], $0x80, v4, vm0, $0xb8;
	[tilespmem:$0x1C400] =	vst v63  }
0x2e4: {  	s20 =	simm.s32 $0x3C00  }
0x2e5: {  	[tilespmem:s20], [sflag:$0x1] =	stream.indirect_vreg.gather [hbm4b:s1+s3], $0x80, v3, vm0, $0xb8;
	[tilespmem:$0x1C400] =	vst v63  }
0x2e6: {  	_ =	swait.ge [sflag:s0], $0x4000  }
0x2e7: {  	[sflag:s0] =	ssyncset.done $0x0  }
0x2e8: {  	s23 =	simm.s32 $0x8400;
	s20 =	rddreg [dreg:$0xe];
	[sflag:s0] =	ssyncadd.s32 $0xFFFFC000  }
0x2e9: {  	[hbm4b:s20+s3] =	stream.linear.scatter [tilespmem:s23], [sflag:$0xA], $0x4000, $0x38;
	[tilespmem:$0x1C400] =	vst v63  }
0x2ea: {  	_ =	swait.ge [sflag:s30], $0x4000  }
0x2eb: {  	[sflag:s30] =	ssyncset.done $0x0  }
0x2ec: {  	[sflag:s30] =	ssyncadd.s32 $0xFFFFC000  }
0x2ed: {  	v3 =	vld [tilespmem:$0x3C0];
	_ =	sdelay $0x4  }
0x2ee: {  	v60 =	vshll.u32 v3, $0x1  }
0x2ef: {  	v3 =	vand.u32 $0x7, v3;
	v4 =	vand.u32 $0xFFFFFFF0, v60  }
0x2f0: {  	v3 =	vor.u32 v3, v4  }
0x2f1: {  	v4 =	vperm.xlane v3, v0;
	_ =	sdelay $0x1  }
0x2f2: {  	v3 =	vperm.xlane v3, v2;
	v4 =	vadd.s32 v1, v4;
	_ =	sdelay $0x1  }
0x2f3: {  	v3 =	vadd.s32 v1, v3;
	_ =	sdelay $0x2  }
0x2f4: {  	[tilespmem:s29], [sflag:$0x2] =	stream.indirect_vreg.gather [hbm4b:s1+s3], $0x80, v4, vm0, $0xb8;
	[tilespmem:$0x1C400] =	vst v63  }
0x2f5: {  	s23 =	simm.s32 $0x4C00  }
0x2f6: {  	[tilespmem:s23], [sflag:$0x2] =	stream.indirect_vreg.gather [hbm4b:s1+s3], $0x80, v3, vm0, $0xb8;
	[tilespmem:$0x1C400] =	vst v63  }
0x2f7: {  	v3 =	vld [tilespmem:$0x3D0];
	_ =	sdelay $0x4  }
0x2f8: {  	v61 =	vshll.u32 v3, $0x1  }
0x2f9: {  	v3 =	vand.u32 $0x7, v3;
	v4 =	vand.u32 $0xFFFFFFF0, v61  }
0x2fa: {  	v3 =	vor.u32 v3, v4  }
0x2fb: {  	v4 =	vperm.xlane v3, v0;
	_ =	sdelay $0x1  }
0x2fc: {  	v3 =	vperm.xlane v3, v2;
	v4 =	vadd.s32 v1, v4;
	_ =	sdelay $0x1  }
0x2fd: {  	v3 =	vadd.s32 v1, v3;
	_ =	sdelay $0x1  }
0x2fe: {  	s17 =	simm.s32 $0x5400  }
0x2ff: {  	[tilespmem:s17], [sflag:$0x2] =	stream.indirect_vreg.gather [hbm4b:s1+s3], $0x80, v4, vm0, $0xb8;
	[tilespmem:$0x1C400] =	vst v63  }
0x300: {  	s20 =	simm.s32 $0x5C00  }
0x301: {  	[tilespmem:s20], [sflag:$0x2] =	stream.indirect_vreg.gather [hbm4b:s1+s3], $0x80, v3, vm0, $0xb8;
	[tilespmem:$0x1C400] =	vst v63  }
0x302: {  	v3 =	vld [tilespmem:$0x3E0];
	_ =	sdelay $0x4  }
0x303: {  	v62 =	vshll.u32 v3, $0x1  }
0x304: {  	v3 =	vand.u32 $0x7, v3;
	v4 =	vand.u32 $0xFFFFFFF0, v62  }
0x305: {  	v3 =	vor.u32 v3, v4  }
0x306: {  	v4 =	vperm.xlane v3, v0;
	_ =	sdelay $0x1  }
0x307: {  	v3 =	vperm.xlane v3, v2;
	v4 =	vadd.s32 v1, v4;
	_ =	sdelay $0x1  }
0x308: {  	v3 =	vadd.s32 v1, v3;
	_ =	sdelay $0x1  }
0x309: {  	s23 =	simm.s32 $0x6400  }
0x30a: {  	[tilespmem:s23], [sflag:$0x2] =	stream.indirect_vreg.gather [hbm4b:s1+s3], $0x80, v4, vm0, $0xb8;
	[tilespmem:$0x1C400] =	vst v63  }
0x30b: {  	s17 =	simm.s32 $0x6C00  }
0x30c: {  	[tilespmem:s17], [sflag:$0x2] =	stream.indirect_vreg.gather [hbm4b:s1+s3], $0x80, v3, vm0, $0xb8;
	[tilespmem:$0x1C400] =	vst v63  }
0x30d: {  	v3 =	vld [tilespmem:$0x3F0];
	_ =	sdelay $0x4  }
0x30e: {  	v63 =	vshll.u32 v3, $0x1  }
0x30f: {  	v3 =	vand.u32 $0x7, v3;
	v4 =	vand.u32 $0xFFFFFFF0, v63  }
0x310: {  	v3 =	vor.u32 v3, v4  }
0x311: {  	v4 =	vperm.xlane v3, v0;
	_ =	sdelay $0x1  }
0x312: {  	v3 =	vperm.xlane v3, v2;
	v4 =	vadd.s32 v1, v4;
	_ =	sdelay $0x1  }
0x313: {  	v3 =	vadd.s32 v1, v3;
	_ =	sdelay $0x1  }
0x314: {  	s20 =	simm.s32 $0x7400  }
0x315: {  	[tilespmem:s20], [sflag:$0x2] =	stream.indirect_vreg.gather [hbm4b:s1+s3], $0x80, v4, vm0, $0xb8;
	[tilespmem:$0x1C400] =	vst v63  }
0x316: {  	s23 =	simm.s32 $0x7C00  }
0x317: {  	[tilespmem:s23], [sflag:$0x2] =	stream.indirect_vreg.gather [hbm4b:s1+s3], $0x80, v3, vm0, $0xb8;
	[tilespmem:$0x1C400] =	vst v63  }
0x318: {  	_ =	swait.ge [sflag:s2], $0x4000  }
0x319: {  	[sflag:s2] =	ssyncset.done $0x0  }
0x31a: {  	s19 =	simm.s32 $0xC400;
	s0 =	rddreg [dreg:$0xf];
	[sflag:s2] =	ssyncadd.s32 $0xFFFFC000  }
0x31b: {  	[hbm4b:s0+s3] =	stream.linear.scatter [tilespmem:s19], [sflag:$0xB], $0x4000, $0x38;
	[tilespmem:$0x1C400] =	vst v63  }
0x31c: {  	_ =	swait.ge [sflag:s8], $0x4000  }
0x31d: {  	[sflag:s8] =	ssyncset.done $0x0  }
0x31e: {  	s18 =	simm.s32 $0x10400;
	s2 =	rddreg [dreg:$0x10];
	[sflag:s8] =	ssyncadd.s32 $0xFFFFC000  }
0x31f: {  	[hbm4b:s2+s3] =	stream.linear.scatter [tilespmem:s18], [sflag:$0xC], $0x4000, $0x38;
	[tilespmem:$0x1C400] =	vst v63  }
0x320: {  	_ =	swait.ge [sflag:s10], $0x4000  }
0x321: {  	[sflag:s10] =	ssyncset.done $0x0  }
0x322: {  	s18 =	rddreg [dreg:$0x11];
	[sflag:s10] =	ssyncadd.s32 $0xFFFFC000  }
0x323: {  	[hbm4b:s18+s3] =	stream.linear.scatter [tilespmem:s7], [sflag:$0xD], $0x4000, $0x38;
	[tilespmem:$0x1C400] =	vst v63  }
0x324: {  	_ =	swait.ge [sflag:s12], $0x4000  }
0x325: {  	[sflag:s12] =	ssyncset.done $0x0  }
0x326: {  	s19 =	rddreg [dreg:$0x12];
	[sflag:s12] =	ssyncadd.s32 $0xFFFFC000  }
0x327: {  	[hbm4b:s19+s3] =	stream.linear.scatter [tilespmem:s6], [sflag:$0xE], $0x4000, $0x38;
	[tilespmem:$0x1C400] =	vst v63  }
0x328: {  	_ =	swait.ge [sflag:s16], $0x4000  }
0x329: {  	[sflag:s16] =	ssyncset.done $0x0  }
0x32a: {  	s20 =	rddreg [dreg:$0x13];
	[sflag:s16] =	ssyncadd.s32 $0xFFFFC000  }
0x32b: {  	[hbm4b:s20+s3] =	stream.linear.scatter [tilespmem:s15], [sflag:$0x8], $0x4000, $0x38;
	[tilespmem:$0x1C400] =	vst v63  }
0x32c: {  	_ =	swait.ge [sflag:s24], $0x4000  }
0x32d: {  	[sflag:s24] =	ssyncset.done $0x0  }
0x32e: {  	s23 =	rddreg [dreg:$0x14];
	[sflag:s24] =	ssyncadd.s32 $0xFFFFC000  }
0x32f: {  	[hbm4b:s23+s3] =	stream.linear.scatter [tilespmem:s29], [sflag:$0x9], $0x4000, $0x38;
	[tilespmem:$0x1C400] =	vst v63  }
0x330: {  	_ =	swait.ge [sflag:s4], $0x4000  }
0x331: {  	[sflag:s4] =	ssyncset.done $0x0  }
0x332: {  	[sflag:s4] =	ssyncadd.s32 $0xFFFFC000  }
0x333: {  	_ =	swait.ge [sflag:s9], $0x4000  }
0x334: {  	[sflag:s9] =	ssyncset.done $0x0  }
0x335: {  	[sflag:s9] =	ssyncadd.s32 $0xFFFFC000  }
0x336: {  	_ =	swait.ge [sflag:s11], $0x4000  }
0x337: {  	[sflag:s11] =	ssyncset.done $0x0  }
0x338: {  	[sflag:s11] =	ssyncadd.s32 $0xFFFFC000  }
0x339: {  	_ =	swait.ge [sflag:s13], $0x4000  }
0x33a: {  	[sflag:s13] =	ssyncset.done $0x0  }
0x33b: {  	[sflag:s13] =	ssyncadd.s32 $0xFFFFC000  }
0x33c: {  	_ =	swait.ge [sflag:s14], $0x4000  }
0x33d: {  	[sflag:s14] =	ssyncset.done $0x0  }
0x33e: {  	[sflag:s14] =	ssyncadd.s32 $0xFFFFC000  }
0x33f: {  	p0 =	sne.s32 s5, $0x1;
	_ =	swait.ge [sflag:s28], $0x4000  }
.Ltmp0:
0x340: {  	[sflag:s28] =	ssyncset.done $0x0;
	(pc) =	sbr.rel @p0 .LBB2_1-.Ltmp0, $4  }
0x341: {  	[sflag:s28] =	ssyncadd.s32 $0xFFFFC000  }
0x342: {  	_ =	swait.ge [sflag:s30], $0x4000  }
0x343: {  	[sflag:s30] =	ssyncset.done $0x0  }
0x344: {  	s5 =	sadd.s32 $0xFFFFFFFF, s5;
	[sflag:s30] =	ssyncadd.s32 $0xFFFFC000  }
0x345: {  	_ =	sfence.sel $0x180000  }
0x346: {  	[bflag:$0x0] =	sbarrier.arrive $0xFFFF  }
0x347: {  	_ =	strace $0x90000047  }
0x348: {  	s0 =	stileid.u32;
	[bflag:$0x2] =	sbarrier.arrive $0xFFFF  }
0x349: {  	p0 =	sne.s32 s0, $0x0;
	s0 =	rddreg [dreg:$0x3]  }
0x34a: {  	s0 =	sadd.s32 @!p0 $0x100000, s0  }
0x34b: {  	[sflag:s0] =	ssyncadd.tile.s32 @!p0 $0x1;
	_ =	shalt  }
.Lfunc_end2:
_tile_overlayer_lowered:
.L_overlay_start_2:
0x34c: {  	(tag) =	ssettag $0x2  }
0x34d: {  	s0 =	rddreg [dreg:$0x0];
	s2 =	stileid.u32  }
0x34e: {  	s1 =	rddreg [dreg:$0x1];
	p0 =	sne.s32 s2, $0x0  }
0x34f: {  	s3 =	rddreg [dreg:$0x2];
	[bflag:$0x3] =	sbarrier.arrive $0xFFFF;
	s2 =	simm.s32 @!p0 $0x1C0F  }
0x350: {  	[timem:s3], [sflag:s2] =	dma.local @!p0 [hbm:s0], s1  }
0x351: {  	s0 =	simm.s32 @!p0 $0xF  }
0x352: {  	_ =	swait.ge @!p0 [sflag:s0], s1  }
0x353: {  	s1 =	ssub.s32 @!p0 $0x0, s1;
	[sflag:s0] =	ssyncset.done @!p0 $0x0  }
0x354: {  	[sflag:s0] =	ssyncadd.s32 @!p0 s1  }
0x355: {  	[bflag:$0x3] =	sbarrier.arrive $0xFFFF  }
0x356: {  	_ =	shalt  }

</sc_bundles>
